<compile_context>
chip_gen: v7x
topology: tpu7x:2x2x1
jax: 0.10.2.dev20260603
libtpu: 0.0.44.dev20260713+nightly
codegen_flags: <defaults>
</compile_context>

<pallas_src>
import functools

import jax
import jax.numpy as jnp
import numpy as np
from jax import lax
from jax.experimental import pallas as pl
from jax.experimental.pallas import tpu as pltpu
from jax.experimental.pallas import tpu_sc as plsc

VOCAB = 1000000
DIM = 64
B = 4096
L = 200
N_SEG = 3

_NC = 2
_NS = 16
_NW = _NC * _NS
_N = B * L
_PW = _N // _NW
_SUB = 128
_NSUB = 4
_CH = _SUB * _NSUB
_NCHUNK = _PW // _CH


def _sinusoidal_pe(length, dim):
    pos = np.arange(length)[:, None].astype(np.float64)
    i = np.arange(dim)[None, :]
    angle_rates = 1.0 / np.power(10000.0, (2 * (i // 2)) / np.float64(dim))
    angles = pos * angle_rates
    pe = np.zeros((length, dim), dtype=np.float64)
    pe[:, 0::2] = np.sin(angles[:, 0::2])
    pe[:, 1::2] = np.cos(angles[:, 1::2])
    return pe.astype(np.float32)


_PE = _sinusoidal_pe(L, DIM)


def _combo_table(seg_table):
    def body(seg_ref, pe_ref, out_ref):
        out_ref[...] = seg_ref[...] + pe_ref[...]

    out = pl.pallas_call(
        body,
        out_shape=jax.ShapeDtypeStruct((N_SEG, L, DIM), jnp.float32),
    )(seg_table[:, None, :], jnp.asarray(_PE)[None, :, :])
    return out.reshape(N_SEG * L, DIM)


def _sc_lookup(seq2d, lab2d, token_table, combo):
    mesh = plsc.VectorSubcoreMesh(core_axis_name="c", subcore_axis_name="s")

    @functools.partial(
        pl.kernel,
        out_type=jax.ShapeDtypeStruct((_N, DIM), jnp.float32),
        mesh=mesh,
        compiler_params=pltpu.CompilerParams(use_tc_tiling_on_sc=False),
        scratch_types=[
            pltpu.VMEM((_NSUB, _SUB), jnp.int32),
            pltpu.VMEM((_NSUB, _SUB), jnp.int32),
            pltpu.VMEM((_NSUB, _SUB), jnp.int32),
            pltpu.VMEM((_NSUB, _SUB, DIM), jnp.float32),
            pltpu.SemaphoreType.DMA,
            pltpu.SemaphoreType.DMA,
        ],
    )
    def k(seq_hbm, lab_hbm, tok_hbm, combo_hbm, out_hbm,
          idx_v, lab_v, ci_v, rows_t, sem_t, sem_a):
        wid = lax.axis_index("s") * _NC + lax.axis_index("c")
        lane = lax.iota(jnp.int32, 16)

        def chunk_body(kk, carry):
            r0 = wid * (_PW // _SUB) + kk * _NSUB
            pltpu.sync_copy(seq_hbm.at[pl.ds(r0, _NSUB)], idx_v)
            pltpu.sync_copy(lab_hbm.at[pl.ds(r0, _NSUB)], lab_v)
            base = kk * _CH
            for j in range(_NSUB):
                for c in range(_SUB // 16):
                    pos = lax.rem(base + j * _SUB + c * 16 + lane, L)
                    ci_v[j, pl.ds(c * 16, 16)] = lab_v[j, pl.ds(c * 16, 16)] * L + pos
            cps = []
            for j in range(_NSUB):
                cps.append(pltpu.async_copy(combo_hbm.at[ci_v.at[j]], rows_t.at[j], sem_a))
            for cp in cps:
                cp.wait()
            cps = []
            for j in range(_NSUB):
                cps.append(pltpu.async_copy(tok_hbm.at[idx_v.at[j]], rows_t.at[j], sem_t, add=True))
            for cp in cps:
                cp.wait()
            row_out = wid * _PW + kk * _CH
            for j in range(_NSUB):
                pltpu.sync_copy(rows_t.at[j], out_hbm.at[pl.ds(row_out + j * _SUB, _SUB)])
            return carry

        lax.fori_loop(0, _NCHUNK, chunk_body, 0)

    return k(seq2d, lab2d, token_table, combo)


def kernel(seq, seg_label, token_table, seg_table):
    combo = _combo_table(seg_table)
    seq2d = seq.reshape(_N // _SUB, _SUB).astype(jnp.int32)
    lab2d = seg_label.reshape(_N // _SUB, _SUB).astype(jnp.int32)
    out = _sc_lookup(seq2d, lab2d, token_table, combo)
    return out.reshape(B, L, DIM)

# --- scband reference (transcript-rebuilt; emitter-appended) ---
"""Pipeline reference for scband-embedding-3272765079822 (READ-ONLY COPY).

The authoritative reference and input builder live on the scoring server;
editing this copy changes nothing except your own understanding.
"""

import jax, jax.numpy as jnp
import numpy as np

VOCAB = 1000000
DIM = 64
B = 4096
L = 200
N_SEG = 3
PAD_IDX = 0


def sinusoidal_pe(length, dim):
    pos = np.arange(length)[:, None].astype(np.float64)
    i = np.arange(dim)[None, :]
    angle_rates = 1.0 / np.power(10000.0, (2 * (i // 2)) / np.float64(dim))
    angles = pos * angle_rates
    pe = np.zeros((length, dim), dtype=np.float64)
    pe[:, 0::2] = np.sin(angles[:, 0::2])
    pe[:, 1::2] = np.cos(angles[:, 1::2])
    return jnp.asarray(pe, dtype=jnp.float32)


def setup_inputs(seed: int = 0) -> dict:
    key = jax.random.key(seed)
    k1, k2, k3, k4 = jax.random.split(key, 4)
    seq = jax.random.randint(k1, (B, L), 0, VOCAB, dtype=jnp.int64) if jax.config.jax_enable_x64 else jax.random.randint(k1, (B, L), 0, VOCAB, dtype=jnp.int32)
    seg_label = jax.random.randint(k2, (B, L), 0, N_SEG, dtype=seq.dtype)
    token_table = jax.random.normal(k3, (VOCAB, DIM), dtype=jnp.float32) * 0.02
    token_table = token_table.at[PAD_IDX].set(0.0)
    seg_table = jax.random.normal(k4, (N_SEG, DIM), dtype=jnp.float32) * 0.02
    seg_table = seg_table.at[PAD_IDX].set(0.0)
    return {"seq": seq, "seg_label": seg_label, "token_table": token_table, "seg_table": seg_table}


def reference(seq, seg_label, token_table, seg_table):
    # padding_idx semantics: row at PAD_IDX is zero
    tok_tab = token_table.at[PAD_IDX].set(0.0)
    seg_tab = seg_table.at[PAD_IDX].set(0.0)
    x = jnp.take(tok_tab, seq, axis=0)              # token embedding gather
    x = x + sinusoidal_pe(L, DIM)[None, :, :]        # positional encoding (sinusoidal, added)
    x = x + jnp.take(seg_tab, seg_label, axis=0)     # segment embedding gather
    # dropout is identity in eval mode
    return x

if __name__ == "__main__":
    import jax
    _d = setup_inputs()
    print(jax.jit(kernel)(*tuple(_d.values())))

</pallas_src>

<mosaic_0001>
#map = affine_map<(d0, d1) -> (0, 0)>
module attributes {stable_mosaic.version = 14 : i64} {
  func.func @k(%arg0: i32, %arg1: i32, %arg2: memref<6400x128xi32, #tpu.memory_space<hbm>>, %arg3: memref<6400x128xi32, #tpu.memory_space<hbm>>, %arg4: memref<1000000x64xf32, #tpu.memory_space<hbm>>, %arg5: memref<600x64xf32, #tpu.memory_space<hbm>>, %arg6: memref<819200x64xf32, #tpu.memory_space<hbm>>, %arg7: memref<4x128xi32, #tpu.memory_space<vmem>>, %arg8: memref<4x128xi32, #tpu.memory_space<vmem>>, %arg9: memref<4x128xi32, #tpu.memory_space<vmem>>, %arg10: memref<4x128x64xf32, #tpu.memory_space<vmem>>, %arg11: memref<!tpu.dma_semaphore, #tpu.memory_space<semaphore_mem>>, %arg12: memref<!tpu.dma_semaphore, #tpu.memory_space<semaphore_mem>>) attributes {dimension_semantics = [#tpu.dimension_semantics<core_parallel>, #tpu.dimension_semantics<subcore_parallel>], iteration_bounds = array<i64: 2, 16>, scalar_prefetch = 0 : i64, scratch_operands = 6 : i64, tpu.core_type = #tpu.core_type<sc_vector_subcore>, window_params = [{transform_indices = #map}, {transform_indices = #map}, {transform_indices = #map}, {transform_indices = #map}, {transform_indices = #map}]} {
    %mul3A = arith.constant 2 : i32
    %mul3A_0 = arith.muli %arg1, %mul3A : i32
    %add3A = arith.addi %mul3A_0, %arg0 : i32
    %iota3A = tpu.iota {dimensions = array<i32: 0>} : vector<16xi32>
    %scan3A = arith.constant 0 : i32
    %scan3A_1 = arith.constant 0 : i32
    %scan3A_2 = arith.constant 50 : i32
    %scan3A_3 = arith.addi %scan3A_1, %scan3A_2 : i32
    %scan3A_4 = arith.constant 1 : i32
    scf.for %scan3A_6 = %scan3A_1 to %scan3A_3 step %scan3A_4  : i32 {
      %mul3A_7 = arith.constant 200 : i32
      %mul3A_8 = arith.muli %add3A, %mul3A_7 : i32
      %mul3A_9 = arith.constant 4 : i32
      %mul3A_10 = arith.muli %scan3A_6, %mul3A_9 : i32
      %add3A_11 = arith.addi %mul3A_8, %mul3A_10 : i32
      "tpu.region"() ({
        %run_scoped3A_985 = tpu.sem_alloc : memref<!tpu.dma_semaphore, #tpu.memory_space<semaphore_mem>>
        %dma_start3A_986 = arith.constant 0 : i32
        %dma_start3A_987 = tpu.memref_slice %arg2[%add3A_11, %dma_start3A_986] : memref<6400x128xi32, #tpu.memory_space<hbm>> -> memref<4x128xi32, #tpu.memory_space<hbm>>
        %dma_start3A_988 = arith.constant 0 : i32
        %dma_start3A_989 = tpu.memref_slice %arg2[%add3A_11, %dma_start3A_988] : memref<6400x128xi32, #tpu.memory_space<hbm>> -> memref<4x128xi32, #tpu.memory_space<hbm>>
        tpu.enqueue_dma source(%dma_start3A_989 : memref<4x128xi32, #tpu.memory_space<hbm>>) target(%arg7 : memref<4x128xi32, #tpu.memory_space<vmem>>) target_semaphore(%run_scoped3A_985 : memref<!tpu.dma_semaphore, #tpu.memory_space<semaphore_mem>>)
        %dma_wait3A_990 = arith.constant 0 : i32
        %dma_wait3A_991 = tpu.memref_slice %arg2[%add3A_11, %dma_wait3A_990] : memref<6400x128xi32, #tpu.memory_space<hbm>> -> memref<4x128xi32, #tpu.memory_space<hbm>>
        %dma_wait3A_992 = arith.constant 0 : i32
        %dma_wait3A_993 = tpu.memref_slice %arg2[%add3A_11, %dma_wait3A_992] : memref<6400x128xi32, #tpu.memory_space<hbm>> -> memref<4x128xi32, #tpu.memory_space<hbm>>
        tpu.wait_dma2 semaphore(%run_scoped3A_985 : memref<!tpu.dma_semaphore, #tpu.memory_space<semaphore_mem>>) src(%dma_wait3A_993 : memref<4x128xi32, #tpu.memory_space<hbm>>) dst(%arg7 : memref<4x128xi32, #tpu.memory_space<vmem>>)
        tpu.yield
      }) : () -> ()
      "tpu.region"() ({
        %run_scoped3A_985 = tpu.sem_alloc : memref<!tpu.dma_semaphore, #tpu.memory_space<semaphore_mem>>
        %dma_start3A_986 = arith.constant 0 : i32
        %dma_start3A_987 = tpu.memref_slice %arg3[%add3A_11, %dma_start3A_986] : memref<6400x128xi32, #tpu.memory_space<hbm>> -> memref<4x128xi32, #tpu.memory_space<hbm>>
        %dma_start3A_988 = arith.constant 0 : i32
        %dma_start3A_989 = tpu.memref_slice %arg3[%add3A_11, %dma_start3A_988] : memref<6400x128xi32, #tpu.memory_space<hbm>> -> memref<4x128xi32, #tpu.memory_space<hbm>>
        tpu.enqueue_dma source(%dma_start3A_989 : memref<4x128xi32, #tpu.memory_space<hbm>>) target(%arg8 : memref<4x128xi32, #tpu.memory_space<vmem>>) target_semaphore(%run_scoped3A_985 : memref<!tpu.dma_semaphore, #tpu.memory_space<semaphore_mem>>)
        %dma_wait3A_990 = arith.constant 0 : i32
        %dma_wait3A_991 = tpu.memref_slice %arg3[%add3A_11, %dma_wait3A_990] : memref<6400x128xi32, #tpu.memory_space<hbm>> -> memref<4x128xi32, #tpu.memory_space<hbm>>
        %dma_wait3A_992 = arith.constant 0 : i32
        %dma_wait3A_993 = tpu.memref_slice %arg3[%add3A_11, %dma_wait3A_992] : memref<6400x128xi32, #tpu.memory_space<hbm>> -> memref<4x128xi32, #tpu.memory_space<hbm>>
        tpu.wait_dma2 semaphore(%run_scoped3A_985 : memref<!tpu.dma_semaphore, #tpu.memory_space<semaphore_mem>>) src(%dma_wait3A_993 : memref<4x128xi32, #tpu.memory_space<hbm>>) dst(%arg8 : memref<4x128xi32, #tpu.memory_space<vmem>>)
        tpu.yield
      }) : () -> ()
      %mul3A_12 = arith.constant 512 : i32
      %mul3A_13 = arith.muli %scan3A_6, %mul3A_12 : i32
      %add3A_14 = arith.constant 0 : i32
      %add3A_15 = arith.addi %mul3A_13, %add3A_14 : i32
      %add3A_16 = arith.constant 0 : i32
      %add3A_17 = arith.addi %add3A_15, %add3A_16 : i32
      %add3A_18 = vector.broadcast %add3A_17 : i32 to vector<16xi32>
      %add3A_19 = arith.addi %add3A_18, %iota3A : vector<16xi32>
      %rem3A = arith.constant 200 : i32
      %rem3A_20 = vector.broadcast %rem3A : i32 to vector<16xi32>
      %rem3A_21 = arith.remsi %add3A_19, %rem3A_20 : vector<16xi32>
      %get3A = arith.constant 0 : i32
      %get3A_22 = arith.index_cast %get3A : i32 to index
      %get3A_23 = arith.constant 0 : index
      %get3A_24 = tpu.vector_load %arg8[%get3A_22, %get3A_23] {strides = array<i32>} : memref<4x128xi32, #tpu.memory_space<vmem>>, vector<1x16xi32>,
      %get3A_25 = vector.shape_cast %get3A_24 : vector<1x16xi32> to vector<16xi32>
      %mul3A_26 = arith.constant 200 : i32
      %mul3A_27 = vector.broadcast %mul3A_26 : i32 to vector<16xi32>
      %mul3A_28 = arith.muli %get3A_25, %mul3A_27 : vector<16xi32>
      %add3A_29 = arith.addi %mul3A_28, %rem3A_21 : vector<16xi32>
      %swap3A = arith.constant 0 : i32
      %swap3A_30 = arith.index_cast %swap3A : i32 to index
      %swap3A_31 = arith.constant 0 : index
      %swap3A_32 = tpu.vector_load %arg9[%swap3A_30, %swap3A_31] {strides = array<i32>} : memref<4x128xi32, #tpu.memory_space<vmem>>, vector<1x16xi32>,
      %swap3A_33 = vector.shape_cast %swap3A_32 : vector<1x16xi32> to vector<16xi32>
      %swap3A_34 = vector.shape_cast %add3A_29 : vector<16xi32> to vector<1x16xi32>
      tpu.vector_store %arg9[%swap3A_30, %swap3A_31], %swap3A_34 {strides = array<i32>} : memref<4x128xi32, #tpu.memory_space<vmem>>, vector<1x16xi32>,
      %add3A_35 = arith.constant 0 : i32
      %add3A_36 = arith.addi %mul3A_13, %add3A_35 : i32
      %add3A_37 = arith.constant 16 : i32
      %add3A_38 = arith.addi %add3A_36, %add3A_37 : i32
      %add3A_39 = vector.broadcast %add3A_38 : i32 to vector<16xi32>
      %add3A_40 = arith.addi %add3A_39, %iota3A : vector<16xi32>
      %rem3A_41 = arith.constant 200 : i32
      %rem3A_42 = vector.broadcast %rem3A_41 : i32 to vector<16xi32>
      %rem3A_43 = arith.remsi %add3A_40, %rem3A_42 : vector<16xi32>
      %get3A_44 = arith.constant 0 : i32
      %get3A_45 = arith.index_cast %get3A_44 : i32 to index
      %get3A_46 = arith.constant 16 : index
      %get3A_47 = tpu.vector_load %arg8[%get3A_45, %get3A_46] {strides = array<i32>} : memref<4x128xi32, #tpu.memory_space<vmem>>, vector<1x16xi32>,
      %get3A_48 = vector.shape_cast %get3A_47 : vector<1x16xi32> to vector<16xi32>
      %mul3A_49 = arith.constant 200 : i32
      %mul3A_50 = vector.broadcast %mul3A_49 : i32 to vector<16xi32>
      %mul3A_51 = arith.muli %get3A_48, %mul3A_50 : vector<16xi32>
      %add3A_52 = arith.addi %mul3A_51, %rem3A_43 : vector<16xi32>
      %swap3A_53 = arith.constant 0 : i32
      %swap3A_54 = arith.index_cast %swap3A_53 : i32 to index
      %swap3A_55 = arith.constant 16 : index
      %swap3A_56 = tpu.vector_load %arg9[%swap3A_54, %swap3A_55] {strides = array<i32>} : memref<4x128xi32, #tpu.memory_space<vmem>>, vector<1x16xi32>,
      %swap3A_57 = vector.shape_cast %swap3A_56 : vector<1x16xi32> to vector<16xi32>
      %swap3A_58 = vector.shape_cast %add3A_52 : vector<16xi32> to vector<1x16xi32>
      tpu.vector_store %arg9[%swap3A_54, %swap3A_55], %swap3A_58 {strides = array<i32>} : memref<4x128xi32, #tpu.memory_space<vmem>>, vector<1x16xi32>,
      %add3A_59 = arith.constant 0 : i32
      %add3A_60 = arith.addi %mul3A_13, %add3A_59 : i32
      %add3A_61 = arith.constant 32 : i32
      %add3A_62 = arith.addi %add3A_60, %add3A_61 : i32
      %add3A_63 = vector.broadcast %add3A_62 : i32 to vector<16xi32>
      %add3A_64 = arith.addi %add3A_63, %iota3A : vector<16xi32>
      %rem3A_65 = arith.constant 200 : i32
      %rem3A_66 = vector.broadcast %rem3A_65 : i32 to vector<16xi32>
      %rem3A_67 = arith.remsi %add3A_64, %rem3A_66 : vector<16xi32>
      %get3A_68 = arith.constant 0 : i32
      %get3A_69 = arith.index_cast %get3A_68 : i32 to index
      %get3A_70 = arith.constant 32 : index
      %get3A_71 = tpu.vector_load %arg8[%get3A_69, %get3A_70] {strides = array<i32>} : memref<4x128xi32, #tpu.memory_space<vmem>>, vector<1x16xi32>,
      %get3A_72 = vector.shape_cast %get3A_71 : vector<1x16xi32> to vector<16xi32>
      %mul3A_73 = arith.constant 200 : i32
      %mul3A_74 = vector.broadcast %mul3A_73 : i32 to vector<16xi32>
      %mul3A_75 = arith.muli %get3A_72, %mul3A_74 : vector<16xi32>
      %add3A_76 = arith.addi %mul3A_75, %rem3A_67 : vector<16xi32>
      %swap3A_77 = arith.constant 0 : i32
      %swap3A_78 = arith.index_cast %swap3A_77 : i32 to index
      %swap3A_79 = arith.constant 32 : index
      %swap3A_80 = tpu.vector_load %arg9[%swap3A_78, %swap3A_79] {strides = array<i32>} : memref<4x128xi32, #tpu.memory_space<vmem>>, vector<1x16xi32>,
      %swap3A_81 = vector.shape_cast %swap3A_80 : vector<1x16xi32> to vector<16xi32>
      %swap3A_82 = vector.shape_cast %add3A_76 : vector<16xi32> to vector<1x16xi32>
      tpu.vector_store %arg9[%swap3A_78, %swap3A_79], %swap3A_82 {strides = array<i32>} : memref<4x128xi32, #tpu.memory_space<vmem>>, vector<1x16xi32>,
      %add3A_83 = arith.constant 0 : i32
      %add3A_84 = arith.addi %mul3A_13, %add3A_83 : i32
      %add3A_85 = arith.constant 48 : i32
      %add3A_86 = arith.addi %add3A_84, %add3A_85 : i32
      %add3A_87 = vector.broadcast %add3A_86 : i32 to vector<16xi32>
      %add3A_88 = arith.addi %add3A_87, %iota3A : vector<16xi32>
      %rem3A_89 = arith.constant 200 : i32
      %rem3A_90 = vector.broadcast %rem3A_89 : i32 to vector<16xi32>
      %rem3A_91 = arith.remsi %add3A_88, %rem3A_90 : vector<16xi32>
      %get3A_92 = arith.constant 0 : i32
      %get3A_93 = arith.index_cast %get3A_92 : i32 to index
      %get3A_94 = arith.constant 48 : index
      %get3A_95 = tpu.vector_load %arg8[%get3A_93, %get3A_94] {strides = array<i32>} : memref<4x128xi32, #tpu.memory_space<vmem>>, vector<1x16xi32>,
      %get3A_96 = vector.shape_cast %get3A_95 : vector<1x16xi32> to vector<16xi32>
      %mul3A_97 = arith.constant 200 : i32
      %mul3A_98 = vector.broadcast %mul3A_97 : i32 to vector<16xi32>
      %mul3A_99 = arith.muli %get3A_96, %mul3A_98 : vector<16xi32>
      %add3A_100 = arith.addi %mul3A_99, %rem3A_91 : vector<16xi32>
      %swap3A_101 = arith.constant 0 : i32
      %swap3A_102 = arith.index_cast %swap3A_101 : i32 to index
      %swap3A_103 = arith.constant 48 : index
      %swap3A_104 = tpu.vector_load %arg9[%swap3A_102, %swap3A_103] {strides = array<i32>} : memref<4x128xi32, #tpu.memory_space<vmem>>, vector<1x16xi32>,
      %swap3A_105 = vector.shape_cast %swap3A_104 : vector<1x16xi32> to vector<16xi32>
      %swap3A_106 = vector.shape_cast %add3A_100 : vector<16xi32> to vector<1x16xi32>
      tpu.vector_store %arg9[%swap3A_102, %swap3A_103], %swap3A_106 {strides = array<i32>} : memref<4x128xi32, #tpu.memory_space<vmem>>, vector<1x16xi32>,
      %add3A_107 = arith.constant 0 : i32
      %add3A_108 = arith.addi %mul3A_13, %add3A_107 : i32
      %add3A_109 = arith.constant 64 : i32
      %add3A_110 = arith.addi %add3A_108, %add3A_109 : i32
      %add3A_111 = vector.broadcast %add3A_110 : i32 to vector<16xi32>
      %add3A_112 = arith.addi %add3A_111, %iota3A : vector<16xi32>
      %rem3A_113 = arith.constant 200 : i32
      %rem3A_114 = vector.broadcast %rem3A_113 : i32 to vector<16xi32>
      %rem3A_115 = arith.remsi %add3A_112, %rem3A_114 : vector<16xi32>
      %get3A_116 = arith.constant 0 : i32
      %get3A_117 = arith.index_cast %get3A_116 : i32 to index
      %get3A_118 = arith.constant 64 : index
      %get3A_119 = tpu.vector_load %arg8[%get3A_117, %get3A_118] {strides = array<i32>} : memref<4x128xi32, #tpu.memory_space<vmem>>, vector<1x16xi32>,
      %get3A_120 = vector.shape_cast %get3A_119 : vector<1x16xi32> to vector<16xi32>
      %mul3A_121 = arith.constant 200 : i32
      %mul3A_122 = vector.broadcast %mul3A_121 : i32 to vector<16xi32>
      %mul3A_123 = arith.muli %get3A_120, %mul3A_122 : vector<16xi32>
      %add3A_124 = arith.addi %mul3A_123, %rem3A_115 : vector<16xi32>
      %swap3A_125 = arith.constant 0 : i32
      %swap3A_126 = arith.index_cast %swap3A_125 : i32 to index
      %swap3A_127 = arith.constant 64 : index
      %swap3A_128 = tpu.vector_load %arg9[%swap3A_126, %swap3A_127] {strides = array<i32>} : memref<4x128xi32, #tpu.memory_space<vmem>>, vector<1x16xi32>,
      %swap3A_129 = vector.shape_cast %swap3A_128 : vector<1x16xi32> to vector<16xi32>
      %swap3A_130 = vector.shape_cast %add3A_124 : vector<16xi32> to vector<1x16xi32>
      tpu.vector_store %arg9[%swap3A_126, %swap3A_127], %swap3A_130 {strides = array<i32>} : memref<4x128xi32, #tpu.memory_space<vmem>>, vector<1x16xi32>,
      %add3A_131 = arith.constant 0 : i32
      %add3A_132 = arith.addi %mul3A_13, %add3A_131 : i32
      %add3A_133 = arith.constant 80 : i32
      %add3A_134 = arith.addi %add3A_132, %add3A_133 : i32
      %add3A_135 = vector.broadcast %add3A_134 : i32 to vector<16xi32>
      %add3A_136 = arith.addi %add3A_135, %iota3A : vector<16xi32>
      %rem3A_137 = arith.constant 200 : i32
      %rem3A_138 = vector.broadcast %rem3A_137 : i32 to vector<16xi32>
      %rem3A_139 = arith.remsi %add3A_136, %rem3A_138 : vector<16xi32>
      %get3A_140 = arith.constant 0 : i32
      %get3A_141 = arith.index_cast %get3A_140 : i32 to index
      %get3A_142 = arith.constant 80 : index
      %get3A_143 = tpu.vector_load %arg8[%get3A_141, %get3A_142] {strides = array<i32>} : memref<4x128xi32, #tpu.memory_space<vmem>>, vector<1x16xi32>,
      %get3A_144 = vector.shape_cast %get3A_143 : vector<1x16xi32> to vector<16xi32>
      %mul3A_145 = arith.constant 200 : i32
      %mul3A_146 = vector.broadcast %mul3A_145 : i32 to vector<16xi32>
      %mul3A_147 = arith.muli %get3A_144, %mul3A_146 : vector<16xi32>
      %add3A_148 = arith.addi %mul3A_147, %rem3A_139 : vector<16xi32>
      %swap3A_149 = arith.constant 0 : i32
      %swap3A_150 = arith.index_cast %swap3A_149 : i32 to index
      %swap3A_151 = arith.constant 80 : index
      %swap3A_152 = tpu.vector_load %arg9[%swap3A_150, %swap3A_151] {strides = array<i32>} : memref<4x128xi32, #tpu.memory_space<vmem>>, vector<1x16xi32>,
      %swap3A_153 = vector.shape_cast %swap3A_152 : vector<1x16xi32> to vector<16xi32>
      %swap3A_154 = vector.shape_cast %add3A_148 : vector<16xi32> to vector<1x16xi32>
      tpu.vector_store %arg9[%swap3A_150, %swap3A_151], %swap3A_154 {strides = array<i32>} : memref<4x128xi32, #tpu.memory_space<vmem>>, vector<1x16xi32>,
      %add3A_155 = arith.constant 0 : i32
      %add3A_156 = arith.addi %mul3A_13, %add3A_155 : i32
      %add3A_157 = arith.constant 96 : i32
      %add3A_158 = arith.addi %add3A_156, %add3A_157 : i32
      %add3A_159 = vector.broadcast %add3A_158 : i32 to vector<16xi32>
      %add3A_160 = arith.addi %add3A_159, %iota3A : vector<16xi32>
      %rem3A_161 = arith.constant 200 : i32
      %rem3A_162 = vector.broadcast %rem3A_161 : i32 to vector<16xi32>
      %rem3A_163 = arith.remsi %add3A_160, %rem3A_162 : vector<16xi32>
      %get3A_164 = arith.constant 0 : i32
      %get3A_165 = arith.index_cast %get3A_164 : i32 to index
      %get3A_166 = arith.constant 96 : index
      %get3A_167 = tpu.vector_load %arg8[%get3A_165, %get3A_166] {strides = array<i32>} : memref<4x128xi32, #tpu.memory_space<vmem>>, vector<1x16xi32>,
      %get3A_168 = vector.shape_cast %get3A_167 : vector<1x16xi32> to vector<16xi32>
      %mul3A_169 = arith.constant 200 : i32
      %mul3A_170 = vector.broadcast %mul3A_169 : i32 to vector<16xi32>
      %mul3A_171 = arith.muli %get3A_168, %mul3A_170 : vector<16xi32>
      %add3A_172 = arith.addi %mul3A_171, %rem3A_163 : vector<16xi32>
      %swap3A_173 = arith.constant 0 : i32
      %swap3A_174 = arith.index_cast %swap3A_173 : i32 to index
      %swap3A_175 = arith.constant 96 : index
      %swap3A_176 = tpu.vector_load %arg9[%swap3A_174, %swap3A_175] {strides = array<i32>} : memref<4x128xi32, #tpu.memory_space<vmem>>, vector<1x16xi32>,
      %swap3A_177 = vector.shape_cast %swap3A_176 : vector<1x16xi32> to vector<16xi32>
      %swap3A_178 = vector.shape_cast %add3A_172 : vector<16xi32> to vector<1x16xi32>
      tpu.vector_store %arg9[%swap3A_174, %swap3A_175], %swap3A_178 {strides = array<i32>} : memref<4x128xi32, #tpu.memory_space<vmem>>, vector<1x16xi32>,
      %add3A_179 = arith.constant 0 : i32
      %add3A_180 = arith.addi %mul3A_13, %add3A_179 : i32
      %add3A_181 = arith.constant 112 : i32
      %add3A_182 = arith.addi %add3A_180, %add3A_181 : i32
      %add3A_183 = vector.broadcast %add3A_182 : i32 to vector<16xi32>
      %add3A_184 = arith.addi %add3A_183, %iota3A : vector<16xi32>
      %rem3A_185 = arith.constant 200 : i32
      %rem3A_186 = vector.broadcast %rem3A_185 : i32 to vector<16xi32>
      %rem3A_187 = arith.remsi %add3A_184, %rem3A_186 : vector<16xi32>
      %get3A_188 = arith.constant 0 : i32
      %get3A_189 = arith.index_cast %get3A_188 : i32 to index
      %get3A_190 = arith.constant 112 : index
      %get3A_191 = tpu.vector_load %arg8[%get3A_189, %get3A_190] {strides = array<i32>} : memref<4x128xi32, #tpu.memory_space<vmem>>, vector<1x16xi32>,
      %get3A_192 = vector.shape_cast %get3A_191 : vector<1x16xi32> to vector<16xi32>
      %mul3A_193 = arith.constant 200 : i32
      %mul3A_194 = vector.broadcast %mul3A_193 : i32 to vector<16xi32>
      %mul3A_195 = arith.muli %get3A_192, %mul3A_194 : vector<16xi32>
      %add3A_196 = arith.addi %mul3A_195, %rem3A_187 : vector<16xi32>
      %swap3A_197 = arith.constant 0 : i32
      %swap3A_198 = arith.index_cast %swap3A_197 : i32 to index
      %swap3A_199 = arith.constant 112 : index
      %swap3A_200 = tpu.vector_load %arg9[%swap3A_198, %swap3A_199] {strides = array<i32>} : memref<4x128xi32, #tpu.memory_space<vmem>>, vector<1x16xi32>,
      %swap3A_201 = vector.shape_cast %swap3A_200 : vector<1x16xi32> to vector<16xi32>
      %swap3A_202 = vector.shape_cast %add3A_196 : vector<16xi32> to vector<1x16xi32>
      tpu.vector_store %arg9[%swap3A_198, %swap3A_199], %swap3A_202 {strides = array<i32>} : memref<4x128xi32, #tpu.memory_space<vmem>>, vector<1x16xi32>,
      %add3A_203 = arith.constant 128 : i32
      %add3A_204 = arith.addi %mul3A_13, %add3A_203 : i32
      %add3A_205 = arith.constant 0 : i32
      %add3A_206 = arith.addi %add3A_204, %add3A_205 : i32
      %add3A_207 = vector.broadcast %add3A_206 : i32 to vector<16xi32>
      %add3A_208 = arith.addi %add3A_207, %iota3A : vector<16xi32>
      %rem3A_209 = arith.constant 200 : i32
      %rem3A_210 = vector.broadcast %rem3A_209 : i32 to vector<16xi32>
      %rem3A_211 = arith.remsi %add3A_208, %rem3A_210 : vector<16xi32>
      %get3A_212 = arith.constant 1 : i32
      %get3A_213 = arith.index_cast %get3A_212 : i32 to index
      %get3A_214 = arith.constant 0 : index
      %get3A_215 = tpu.vector_load %arg8[%get3A_213, %get3A_214] {strides = array<i32>} : memref<4x128xi32, #tpu.memory_space<vmem>>, vector<1x16xi32>,
      %get3A_216 = vector.shape_cast %get3A_215 : vector<1x16xi32> to vector<16xi32>
      %mul3A_217 = arith.constant 200 : i32
      %mul3A_218 = vector.broadcast %mul3A_217 : i32 to vector<16xi32>
      %mul3A_219 = arith.muli %get3A_216, %mul3A_218 : vector<16xi32>
      %add3A_220 = arith.addi %mul3A_219, %rem3A_211 : vector<16xi32>
      %swap3A_221 = arith.constant 1 : i32
      %swap3A_222 = arith.index_cast %swap3A_221 : i32 to index
      %swap3A_223 = arith.constant 0 : index
      %swap3A_224 = tpu.vector_load %arg9[%swap3A_222, %swap3A_223] {strides = array<i32>} : memref<4x128xi32, #tpu.memory_space<vmem>>, vector<1x16xi32>,
      %swap3A_225 = vector.shape_cast %swap3A_224 : vector<1x16xi32> to vector<16xi32>
      %swap3A_226 = vector.shape_cast %add3A_220 : vector<16xi32> to vector<1x16xi32>
      tpu.vector_store %arg9[%swap3A_222, %swap3A_223], %swap3A_226 {strides = array<i32>} : memref<4x128xi32, #tpu.memory_space<vmem>>, vector<1x16xi32>,
      %add3A_227 = arith.constant 128 : i32
      %add3A_228 = arith.addi %mul3A_13, %add3A_227 : i32
      %add3A_229 = arith.constant 16 : i32
      %add3A_230 = arith.addi %add3A_228, %add3A_229 : i32
      %add3A_231 = vector.broadcast %add3A_230 : i32 to vector<16xi32>
      %add3A_232 = arith.addi %add3A_231, %iota3A : vector<16xi32>
      %rem3A_233 = arith.constant 200 : i32
      %rem3A_234 = vector.broadcast %rem3A_233 : i32 to vector<16xi32>
      %rem3A_235 = arith.remsi %add3A_232, %rem3A_234 : vector<16xi32>
      %get3A_236 = arith.constant 1 : i32
      %get3A_237 = arith.index_cast %get3A_236 : i32 to index
      %get3A_238 = arith.constant 16 : index
      %get3A_239 = tpu.vector_load %arg8[%get3A_237, %get3A_238] {strides = array<i32>} : memref<4x128xi32, #tpu.memory_space<vmem>>, vector<1x16xi32>,
      %get3A_240 = vector.shape_cast %get3A_239 : vector<1x16xi32> to vector<16xi32>
      %mul3A_241 = arith.constant 200 : i32
      %mul3A_242 = vector.broadcast %mul3A_241 : i32 to vector<16xi32>
      %mul3A_243 = arith.muli %get3A_240, %mul3A_242 : vector<16xi32>
      %add3A_244 = arith.addi %mul3A_243, %rem3A_235 : vector<16xi32>
      %swap3A_245 = arith.constant 1 : i32
      %swap3A_246 = arith.index_cast %swap3A_245 : i32 to index
      %swap3A_247 = arith.constant 16 : index
      %swap3A_248 = tpu.vector_load %arg9[%swap3A_246, %swap3A_247] {strides = array<i32>} : memref<4x128xi32, #tpu.memory_space<vmem>>, vector<1x16xi32>,
      %swap3A_249 = vector.shape_cast %swap3A_248 : vector<1x16xi32> to vector<16xi32>
      %swap3A_250 = vector.shape_cast %add3A_244 : vector<16xi32> to vector<1x16xi32>
      tpu.vector_store %arg9[%swap3A_246, %swap3A_247], %swap3A_250 {strides = array<i32>} : memref<4x128xi32, #tpu.memory_space<vmem>>, vector<1x16xi32>,
      %add3A_251 = arith.constant 128 : i32
      %add3A_252 = arith.addi %mul3A_13, %add3A_251 : i32
      %add3A_253 = arith.constant 32 : i32
      %add3A_254 = arith.addi %add3A_252, %add3A_253 : i32
      %add3A_255 = vector.broadcast %add3A_254 : i32 to vector<16xi32>
      %add3A_256 = arith.addi %add3A_255, %iota3A : vector<16xi32>
      %rem3A_257 = arith.constant 200 : i32
      %rem3A_258 = vector.broadcast %rem3A_257 : i32 to vector<16xi32>
      %rem3A_259 = arith.remsi %add3A_256, %rem3A_258 : vector<16xi32>
      %get3A_260 = arith.constant 1 : i32
      %get3A_261 = arith.index_cast %get3A_260 : i32 to index
      %get3A_262 = arith.constant 32 : index
      %get3A_263 = tpu.vector_load %arg8[%get3A_261, %get3A_262] {strides = array<i32>} : memref<4x128xi32, #tpu.memory_space<vmem>>, vector<1x16xi32>,
      %get3A_264 = vector.shape_cast %get3A_263 : vector<1x16xi32> to vector<16xi32>
      %mul3A_265 = arith.constant 200 : i32
      %mul3A_266 = vector.broadcast %mul3A_265 : i32 to vector<16xi32>
      %mul3A_267 = arith.muli %get3A_264, %mul3A_266 : vector<16xi32>
      %add3A_268 = arith.addi %mul3A_267, %rem3A_259 : vector<16xi32>
      %swap3A_269 = arith.constant 1 : i32
      %swap3A_270 = arith.index_cast %swap3A_269 : i32 to index
      %swap3A_271 = arith.constant 32 : index
      %swap3A_272 = tpu.vector_load %arg9[%swap3A_270, %swap3A_271] {strides = array<i32>} : memref<4x128xi32, #tpu.memory_space<vmem>>, vector<1x16xi32>,
      %swap3A_273 = vector.shape_cast %swap3A_272 : vector<1x16xi32> to vector<16xi32>
      %swap3A_274 = vector.shape_cast %add3A_268 : vector<16xi32> to vector<1x16xi32>
      tpu.vector_store %arg9[%swap3A_270, %swap3A_271], %swap3A_274 {strides = array<i32>} : memref<4x128xi32, #tpu.memory_space<vmem>>, vector<1x16xi32>,
      %add3A_275 = arith.constant 128 : i32
      %add3A_276 = arith.addi %mul3A_13, %add3A_275 : i32
      %add3A_277 = arith.constant 48 : i32
      %add3A_278 = arith.addi %add3A_276, %add3A_277 : i32
      %add3A_279 = vector.broadcast %add3A_278 : i32 to vector<16xi32>
      %add3A_280 = arith.addi %add3A_279, %iota3A : vector<16xi32>
      %rem3A_281 = arith.constant 200 : i32
      %rem3A_282 = vector.broadcast %rem3A_281 : i32 to vector<16xi32>
      %rem3A_283 = arith.remsi %add3A_280, %rem3A_282 : vector<16xi32>
      %get3A_284 = arith.constant 1 : i32
      %get3A_285 = arith.index_cast %get3A_284 : i32 to index
      %get3A_286 = arith.constant 48 : index
      %get3A_287 = tpu.vector_load %arg8[%get3A_285, %get3A_286] {strides = array<i32>} : memref<4x128xi32, #tpu.memory_space<vmem>>, vector<1x16xi32>,
      %get3A_288 = vector.shape_cast %get3A_287 : vector<1x16xi32> to vector<16xi32>
      %mul3A_289 = arith.constant 200 : i32
      %mul3A_290 = vector.broadcast %mul3A_289 : i32 to vector<16xi32>
      %mul3A_291 = arith.muli %get3A_288, %mul3A_290 : vector<16xi32>
      %add3A_292 = arith.addi %mul3A_291, %rem3A_283 : vector<16xi32>
      %swap3A_293 = arith.constant 1 : i32
      %swap3A_294 = arith.index_cast %swap3A_293 : i32 to index
      %swap3A_295 = arith.constant 48 : index
      %swap3A_296 = tpu.vector_load %arg9[%swap3A_294, %swap3A_295] {strides = array<i32>} : memref<4x128xi32, #tpu.memory_space<vmem>>, vector<1x16xi32>,
      %swap3A_297 = vector.shape_cast %swap3A_296 : vector<1x16xi32> to vector<16xi32>
      %swap3A_298 = vector.shape_cast %add3A_292 : vector<16xi32> to vector<1x16xi32>
      tpu.vector_store %arg9[%swap3A_294, %swap3A_295], %swap3A_298 {strides = array<i32>} : memref<4x128xi32, #tpu.memory_space<vmem>>, vector<1x16xi32>,
      %add3A_299 = arith.constant 128 : i32
      %add3A_300 = arith.addi %mul3A_13, %add3A_299 : i32
      %add3A_301 = arith.constant 64 : i32
      %add3A_302 = arith.addi %add3A_300, %add3A_301 : i32
      %add3A_303 = vector.broadcast %add3A_302 : i32 to vector<16xi32>
      %add3A_304 = arith.addi %add3A_303, %iota3A : vector<16xi32>
      %rem3A_305 = arith.constant 200 : i32
      %rem3A_306 = vector.broadcast %rem3A_305 : i32 to vector<16xi32>
      %rem3A_307 = arith.remsi %add3A_304, %rem3A_306 : vector<16xi32>
      %get3A_308 = arith.constant 1 : i32
      %get3A_309 = arith.index_cast %get3A_308 : i32 to index
      %get3A_310 = arith.constant 64 : index
      %get3A_311 = tpu.vector_load %arg8[%get3A_309, %get3A_310] {strides = array<i32>} : memref<4x128xi32, #tpu.memory_space<vmem>>, vector<1x16xi32>,
      %get3A_312 = vector.shape_cast %get3A_311 : vector<1x16xi32> to vector<16xi32>
      %mul3A_313 = arith.constant 200 : i32
      %mul3A_314 = vector.broadcast %mul3A_313 : i32 to vector<16xi32>
      %mul3A_315 = arith.muli %get3A_312, %mul3A_314 : vector<16xi32>
      %add3A_316 = arith.addi %mul3A_315, %rem3A_307 : vector<16xi32>
      %swap3A_317 = arith.constant 1 : i32
      %swap3A_318 = arith.index_cast %swap3A_317 : i32 to index
      %swap3A_319 = arith.constant 64 : index
      %swap3A_320 = tpu.vector_load %arg9[%swap3A_318, %swap3A_319] {strides = array<i32>} : memref<4x128xi32, #tpu.memory_space<vmem>>, vector<1x16xi32>,
      %swap3A_321 = vector.shape_cast %swap3A_320 : vector<1x16xi32> to vector<16xi32>
      %swap3A_322 = vector.shape_cast %add3A_316 : vector<16xi32> to vector<1x16xi32>
      tpu.vector_store %arg9[%swap3A_318, %swap3A_319], %swap3A_322 {strides = array<i32>} : memref<4x128xi32, #tpu.memory_space<vmem>>, vector<1x16xi32>,
      %add3A_323 = arith.constant 128 : i32
      %add3A_324 = arith.addi %mul3A_13, %add3A_323 : i32
      %add3A_325 = arith.constant 80 : i32
      %add3A_326 = arith.addi %add3A_324, %add3A_325 : i32
      %add3A_327 = vector.broadcast %add3A_326 : i32 to vector<16xi32>
      %add3A_328 = arith.addi %add3A_327, %iota3A : vector<16xi32>
      %rem3A_329 = arith.constant 200 : i32
      %rem3A_330 = vector.broadcast %rem3A_329 : i32 to vector<16xi32>
      %rem3A_331 = arith.remsi %add3A_328, %rem3A_330 : vector<16xi32>
      %get3A_332 = arith.constant 1 : i32
      %get3A_333 = arith.index_cast %get3A_332 : i32 to index
      %get3A_334 = arith.constant 80 : index
      %get3A_335 = tpu.vector_load %arg8[%get3A_333, %get3A_334] {strides = array<i32>} : memref<4x128xi32, #tpu.memory_space<vmem>>, vector<1x16xi32>,
      %get3A_336 = vector.shape_cast %get3A_335 : vector<1x16xi32> to vector<16xi32>
      %mul3A_337 = arith.constant 200 : i32
      %mul3A_338 = vector.broadcast %mul3A_337 : i32 to vector<16xi32>
      %mul3A_339 = arith.muli %get3A_336, %mul3A_338 : vector<16xi32>
      %add3A_340 = arith.addi %mul3A_339, %rem3A_331 : vector<16xi32>
      %swap3A_341 = arith.constant 1 : i32
      %swap3A_342 = arith.index_cast %swap3A_341 : i32 to index
      %swap3A_343 = arith.constant 80 : index
      %swap3A_344 = tpu.vector_load %arg9[%swap3A_342, %swap3A_343] {strides = array<i32>} : memref<4x128xi32, #tpu.memory_space<vmem>>, vector<1x16xi32>,
      %swap3A_345 = vector.shape_cast %swap3A_344 : vector<1x16xi32> to vector<16xi32>
      %swap3A_346 = vector.shape_cast %add3A_340 : vector<16xi32> to vector<1x16xi32>
      tpu.vector_store %arg9[%swap3A_342, %swap3A_343], %swap3A_346 {strides = array<i32>} : memref<4x128xi32, #tpu.memory_space<vmem>>, vector<1x16xi32>,
      %add3A_347 = arith.constant 128 : i32
      %add3A_348 = arith.addi %mul3A_13, %add3A_347 : i32
      %add3A_349 = arith.constant 96 : i32
      %add3A_350 = arith.addi %add3A_348, %add3A_349 : i32
      %add3A_351 = vector.broadcast %add3A_350 : i32 to vector<16xi32>
      %add3A_352 = arith.addi %add3A_351, %iota3A : vector<16xi32>
      %rem3A_353 = arith.constant 200 : i32
      %rem3A_354 = vector.broadcast %rem3A_353 : i32 to vector<16xi32>
      %rem3A_355 = arith.remsi %add3A_352, %rem3A_354 : vector<16xi32>
      %get3A_356 = arith.constant 1 : i32
      %get3A_357 = arith.index_cast %get3A_356 : i32 to index
      %get3A_358 = arith.constant 96 : index
      %get3A_359 = tpu.vector_load %arg8[%get3A_357, %get3A_358] {strides = array<i32>} : memref<4x128xi32, #tpu.memory_space<vmem>>, vector<1x16xi32>,
      %get3A_360 = vector.shape_cast %get3A_359 : vector<1x16xi32> to vector<16xi32>
      %mul3A_361 = arith.constant 200 : i32
      %mul3A_362 = vector.broadcast %mul3A_361 : i32 to vector<16xi32>
      %mul3A_363 = arith.muli %get3A_360, %mul3A_362 : vector<16xi32>
      %add3A_364 = arith.addi %mul3A_363, %rem3A_355 : vector<16xi32>
      %swap3A_365 = arith.constant 1 : i32
      %swap3A_366 = arith.index_cast %swap3A_365 : i32 to index
      %swap3A_367 = arith.constant 96 : index
      %swap3A_368 = tpu.vector_load %arg9[%swap3A_366, %swap3A_367] {strides = array<i32>} : memref<4x128xi32, #tpu.memory_space<vmem>>, vector<1x16xi32>,
      %swap3A_369 = vector.shape_cast %swap3A_368 : vector<1x16xi32> to vector<16xi32>
      %swap3A_370 = vector.shape_cast %add3A_364 : vector<16xi32> to vector<1x16xi32>
      tpu.vector_store %arg9[%swap3A_366, %swap3A_367], %swap3A_370 {strides = array<i32>} : memref<4x128xi32, #tpu.memory_space<vmem>>, vector<1x16xi32>,
      %add3A_371 = arith.constant 128 : i32
      %add3A_372 = arith.addi %mul3A_13, %add3A_371 : i32
      %add3A_373 = arith.constant 112 : i32
      %add3A_374 = arith.addi %add3A_372, %add3A_373 : i32
      %add3A_375 = vector.broadcast %add3A_374 : i32 to vector<16xi32>
      %add3A_376 = arith.addi %add3A_375, %iota3A : vector<16xi32>
      %rem3A_377 = arith.constant 200 : i32
      %rem3A_378 = vector.broadcast %rem3A_377 : i32 to vector<16xi32>
      %rem3A_379 = arith.remsi %add3A_376, %rem3A_378 : vector<16xi32>
      %get3A_380 = arith.constant 1 : i32
      %get3A_381 = arith.index_cast %get3A_380 : i32 to index
      %get3A_382 = arith.constant 112 : index
      %get3A_383 = tpu.vector_load %arg8[%get3A_381, %get3A_382] {strides = array<i32>} : memref<4x128xi32, #tpu.memory_space<vmem>>, vector<1x16xi32>,
      %get3A_384 = vector.shape_cast %get3A_383 : vector<1x16xi32> to vector<16xi32>
      %mul3A_385 = arith.constant 200 : i32
      %mul3A_386 = vector.broadcast %mul3A_385 : i32 to vector<16xi32>
      %mul3A_387 = arith.muli %get3A_384, %mul3A_386 : vector<16xi32>
      %add3A_388 = arith.addi %mul3A_387, %rem3A_379 : vector<16xi32>
      %swap3A_389 = arith.constant 1 : i32
      %swap3A_390 = arith.index_cast %swap3A_389 : i32 to index
      %swap3A_391 = arith.constant 112 : index
      %swap3A_392 = tpu.vector_load %arg9[%swap3A_390, %swap3A_391] {strides = array<i32>} : memref<4x128xi32, #tpu.memory_space<vmem>>, vector<1x16xi32>,
      %swap3A_393 = vector.shape_cast %swap3A_392 : vector<1x16xi32> to vector<16xi32>
      %swap3A_394 = vector.shape_cast %add3A_388 : vector<16xi32> to vector<1x16xi32>
      tpu.vector_store %arg9[%swap3A_390, %swap3A_391], %swap3A_394 {strides = array<i32>} : memref<4x128xi32, #tpu.memory_space<vmem>>, vector<1x16xi32>,
      %add3A_395 = arith.constant 256 : i32
      %add3A_396 = arith.addi %mul3A_13, %add3A_395 : i32
      %add3A_397 = arith.constant 0 : i32
      %add3A_398 = arith.addi %add3A_396, %add3A_397 : i32
      %add3A_399 = vector.broadcast %add3A_398 : i32 to vector<16xi32>
      %add3A_400 = arith.addi %add3A_399, %iota3A : vector<16xi32>
      %rem3A_401 = arith.constant 200 : i32
      %rem3A_402 = vector.broadcast %rem3A_401 : i32 to vector<16xi32>
      %rem3A_403 = arith.remsi %add3A_400, %rem3A_402 : vector<16xi32>
      %get3A_404 = arith.constant 2 : i32
      %get3A_405 = arith.index_cast %get3A_404 : i32 to index
      %get3A_406 = arith.constant 0 : index
      %get3A_407 = tpu.vector_load %arg8[%get3A_405, %get3A_406] {strides = array<i32>} : memref<4x128xi32, #tpu.memory_space<vmem>>, vector<1x16xi32>,
      %get3A_408 = vector.shape_cast %get3A_407 : vector<1x16xi32> to vector<16xi32>
      %mul3A_409 = arith.constant 200 : i32
      %mul3A_410 = vector.broadcast %mul3A_409 : i32 to vector<16xi32>
      %mul3A_411 = arith.muli %get3A_408, %mul3A_410 : vector<16xi32>
      %add3A_412 = arith.addi %mul3A_411, %rem3A_403 : vector<16xi32>
      %swap3A_413 = arith.constant 2 : i32
      %swap3A_414 = arith.index_cast %swap3A_413 : i32 to index
      %swap3A_415 = arith.constant 0 : index
      %swap3A_416 = tpu.vector_load %arg9[%swap3A_414, %swap3A_415] {strides = array<i32>} : memref<4x128xi32, #tpu.memory_space<vmem>>, vector<1x16xi32>,
      %swap3A_417 = vector.shape_cast %swap3A_416 : vector<1x16xi32> to vector<16xi32>
      %swap3A_418 = vector.shape_cast %add3A_412 : vector<16xi32> to vector<1x16xi32>
      tpu.vector_store %arg9[%swap3A_414, %swap3A_415], %swap3A_418 {strides = array<i32>} : memref<4x128xi32, #tpu.memory_space<vmem>>, vector<1x16xi32>,
      %add3A_419 = arith.constant 256 : i32
      %add3A_420 = arith.addi %mul3A_13, %add3A_419 : i32
      %add3A_421 = arith.constant 16 : i32
      %add3A_422 = arith.addi %add3A_420, %add3A_421 : i32
      %add3A_423 = vector.broadcast %add3A_422 : i32 to vector<16xi32>
      %add3A_424 = arith.addi %add3A_423, %iota3A : vector<16xi32>
      %rem3A_425 = arith.constant 200 : i32
      %rem3A_426 = vector.broadcast %rem3A_425 : i32 to vector<16xi32>
      %rem3A_427 = arith.remsi %add3A_424, %rem3A_426 : vector<16xi32>
      %get3A_428 = arith.constant 2 : i32
      %get3A_429 = arith.index_cast %get3A_428 : i32 to index
      %get3A_430 = arith.constant 16 : index
      %get3A_431 = tpu.vector_load %arg8[%get3A_429, %get3A_430] {strides = array<i32>} : memref<4x128xi32, #tpu.memory_space<vmem>>, vector<1x16xi32>,
      %get3A_432 = vector.shape_cast %get3A_431 : vector<1x16xi32> to vector<16xi32>
      %mul3A_433 = arith.constant 200 : i32
      %mul3A_434 = vector.broadcast %mul3A_433 : i32 to vector<16xi32>
      %mul3A_435 = arith.muli %get3A_432, %mul3A_434 : vector<16xi32>
      %add3A_436 = arith.addi %mul3A_435, %rem3A_427 : vector<16xi32>
      %swap3A_437 = arith.constant 2 : i32
      %swap3A_438 = arith.index_cast %swap3A_437 : i32 to index
      %swap3A_439 = arith.constant 16 : index
      %swap3A_440 = tpu.vector_load %arg9[%swap3A_438, %swap3A_439] {strides = array<i32>} : memref<4x128xi32, #tpu.memory_space<vmem>>, vector<1x16xi32>,
      %swap3A_441 = vector.shape_cast %swap3A_440 : vector<1x16xi32> to vector<16xi32>
      %swap3A_442 = vector.shape_cast %add3A_436 : vector<16xi32> to vector<1x16xi32>
      tpu.vector_store %arg9[%swap3A_438, %swap3A_439], %swap3A_442 {strides = array<i32>} : memref<4x128xi32, #tpu.memory_space<vmem>>, vector<1x16xi32>,
      %add3A_443 = arith.constant 256 : i32
      %add3A_444 = arith.addi %mul3A_13, %add3A_443 : i32
      %add3A_445 = arith.constant 32 : i32
      %add3A_446 = arith.addi %add3A_444, %add3A_445 : i32
      %add3A_447 = vector.broadcast %add3A_446 : i32 to vector<16xi32>
      %add3A_448 = arith.addi %add3A_447, %iota3A : vector<16xi32>
      %rem3A_449 = arith.constant 200 : i32
      %rem3A_450 = vector.broadcast %rem3A_449 : i32 to vector<16xi32>
      %rem3A_451 = arith.remsi %add3A_448, %rem3A_450 : vector<16xi32>
      %get3A_452 = arith.constant 2 : i32
      %get3A_453 = arith.index_cast %get3A_452 : i32 to index
      %get3A_454 = arith.constant 32 : index
      %get3A_455 = tpu.vector_load %arg8[%get3A_453, %get3A_454] {strides = array<i32>} : memref<4x128xi32, #tpu.memory_space<vmem>>, vector<1x16xi32>,
      %get3A_456 = vector.shape_cast %get3A_455 : vector<1x16xi32> to vector<16xi32>
      %mul3A_457 = arith.constant 200 : i32
      %mul3A_458 = vector.broadcast %mul3A_457 : i32 to vector<16xi32>
      %mul3A_459 = arith.muli %get3A_456, %mul3A_458 : vector<16xi32>
      %add3A_460 = arith.addi %mul3A_459, %rem3A_451 : vector<16xi32>
      %swap3A_461 = arith.constant 2 : i32
      %swap3A_462 = arith.index_cast %swap3A_461 : i32 to index
      %swap3A_463 = arith.constant 32 : index
      %swap3A_464 = tpu.vector_load %arg9[%swap3A_462, %swap3A_463] {strides = array<i32>} : memref<4x128xi32, #tpu.memory_space<vmem>>, vector<1x16xi32>,
      %swap3A_465 = vector.shape_cast %swap3A_464 : vector<1x16xi32> to vector<16xi32>
      %swap3A_466 = vector.shape_cast %add3A_460 : vector<16xi32> to vector<1x16xi32>
      tpu.vector_store %arg9[%swap3A_462, %swap3A_463], %swap3A_466 {strides = array<i32>} : memref<4x128xi32, #tpu.memory_space<vmem>>, vector<1x16xi32>,
      %add3A_467 = arith.constant 256 : i32
      %add3A_468 = arith.addi %mul3A_13, %add3A_467 : i32
      %add3A_469 = arith.constant 48 : i32
      %add3A_470 = arith.addi %add3A_468, %add3A_469 : i32
      %add3A_471 = vector.broadcast %add3A_470 : i32 to vector<16xi32>
      %add3A_472 = arith.addi %add3A_471, %iota3A : vector<16xi32>
      %rem3A_473 = arith.constant 200 : i32
      %rem3A_474 = vector.broadcast %rem3A_473 : i32 to vector<16xi32>
      %rem3A_475 = arith.remsi %add3A_472, %rem3A_474 : vector<16xi32>
      %get3A_476 = arith.constant 2 : i32
      %get3A_477 = arith.index_cast %get3A_476 : i32 to index
      %get3A_478 = arith.constant 48 : index
      %get3A_479 = tpu.vector_load %arg8[%get3A_477, %get3A_478] {strides = array<i32>} : memref<4x128xi32, #tpu.memory_space<vmem>>, vector<1x16xi32>,
      %get3A_480 = vector.shape_cast %get3A_479 : vector<1x16xi32> to vector<16xi32>
      %mul3A_481 = arith.constant 200 : i32
      %mul3A_482 = vector.broadcast %mul3A_481 : i32 to vector<16xi32>
      %mul3A_483 = arith.muli %get3A_480, %mul3A_482 : vector<16xi32>
      %add3A_484 = arith.addi %mul3A_483, %rem3A_475 : vector<16xi32>
      %swap3A_485 = arith.constant 2 : i32
      %swap3A_486 = arith.index_cast %swap3A_485 : i32 to index
      %swap3A_487 = arith.constant 48 : index
      %swap3A_488 = tpu.vector_load %arg9[%swap3A_486, %swap3A_487] {strides = array<i32>} : memref<4x128xi32, #tpu.memory_space<vmem>>, vector<1x16xi32>,
      %swap3A_489 = vector.shape_cast %swap3A_488 : vector<1x16xi32> to vector<16xi32>
      %swap3A_490 = vector.shape_cast %add3A_484 : vector<16xi32> to vector<1x16xi32>
      tpu.vector_store %arg9[%swap3A_486, %swap3A_487], %swap3A_490 {strides = array<i32>} : memref<4x128xi32, #tpu.memory_space<vmem>>, vector<1x16xi32>,
      %add3A_491 = arith.constant 256 : i32
      %add3A_492 = arith.addi %mul3A_13, %add3A_491 : i32
      %add3A_493 = arith.constant 64 : i32
      %add3A_494 = arith.addi %add3A_492, %add3A_493 : i32
      %add3A_495 = vector.broadcast %add3A_494 : i32 to vector<16xi32>
      %add3A_496 = arith.addi %add3A_495, %iota3A : vector<16xi32>
      %rem3A_497 = arith.constant 200 : i32
      %rem3A_498 = vector.broadcast %rem3A_497 : i32 to vector<16xi32>
      %rem3A_499 = arith.remsi %add3A_496, %rem3A_498 : vector<16xi32>
      %get3A_500 = arith.constant 2 : i32
      %get3A_501 = arith.index_cast %get3A_500 : i32 to index
      %get3A_502 = arith.constant 64 : index
      %get3A_503 = tpu.vector_load %arg8[%get3A_501, %get3A_502] {strides = array<i32>} : memref<4x128xi32, #tpu.memory_space<vmem>>, vector<1x16xi32>,
      %get3A_504 = vector.shape_cast %get3A_503 : vector<1x16xi32> to vector<16xi32>
      %mul3A_505 = arith.constant 200 : i32
      %mul3A_506 = vector.broadcast %mul3A_505 : i32 to vector<16xi32>
      %mul3A_507 = arith.muli %get3A_504, %mul3A_506 : vector<16xi32>
      %add3A_508 = arith.addi %mul3A_507, %rem3A_499 : vector<16xi32>
      %swap3A_509 = arith.constant 2 : i32
      %swap3A_510 = arith.index_cast %swap3A_509 : i32 to index
      %swap3A_511 = arith.constant 64 : index
      %swap3A_512 = tpu.vector_load %arg9[%swap3A_510, %swap3A_511] {strides = array<i32>} : memref<4x128xi32, #tpu.memory_space<vmem>>, vector<1x16xi32>,
      %swap3A_513 = vector.shape_cast %swap3A_512 : vector<1x16xi32> to vector<16xi32>
      %swap3A_514 = vector.shape_cast %add3A_508 : vector<16xi32> to vector<1x16xi32>
      tpu.vector_store %arg9[%swap3A_510, %swap3A_511], %swap3A_514 {strides = array<i32>} : memref<4x128xi32, #tpu.memory_space<vmem>>, vector<1x16xi32>,
      %add3A_515 = arith.constant 256 : i32
      %add3A_516 = arith.addi %mul3A_13, %add3A_515 : i32
      %add3A_517 = arith.constant 80 : i32
      %add3A_518 = arith.addi %add3A_516, %add3A_517 : i32
      %add3A_519 = vector.broadcast %add3A_518 : i32 to vector<16xi32>
      %add3A_520 = arith.addi %add3A_519, %iota3A : vector<16xi32>
      %rem3A_521 = arith.constant 200 : i32
      %rem3A_522 = vector.broadcast %rem3A_521 : i32 to vector<16xi32>
      %rem3A_523 = arith.remsi %add3A_520, %rem3A_522 : vector<16xi32>
      %get3A_524 = arith.constant 2 : i32
      %get3A_525 = arith.index_cast %get3A_524 : i32 to index
      %get3A_526 = arith.constant 80 : index
      %get3A_527 = tpu.vector_load %arg8[%get3A_525, %get3A_526] {strides = array<i32>} : memref<4x128xi32, #tpu.memory_space<vmem>>, vector<1x16xi32>,
      %get3A_528 = vector.shape_cast %get3A_527 : vector<1x16xi32> to vector<16xi32>
      %mul3A_529 = arith.constant 200 : i32
      %mul3A_530 = vector.broadcast %mul3A_529 : i32 to vector<16xi32>
      %mul3A_531 = arith.muli %get3A_528, %mul3A_530 : vector<16xi32>
      %add3A_532 = arith.addi %mul3A_531, %rem3A_523 : vector<16xi32>
      %swap3A_533 = arith.constant 2 : i32
      %swap3A_534 = arith.index_cast %swap3A_533 : i32 to index
      %swap3A_535 = arith.constant 80 : index
      %swap3A_536 = tpu.vector_load %arg9[%swap3A_534, %swap3A_535] {strides = array<i32>} : memref<4x128xi32, #tpu.memory_space<vmem>>, vector<1x16xi32>,
      %swap3A_537 = vector.shape_cast %swap3A_536 : vector<1x16xi32> to vector<16xi32>
      %swap3A_538 = vector.shape_cast %add3A_532 : vector<16xi32> to vector<1x16xi32>
      tpu.vector_store %arg9[%swap3A_534, %swap3A_535], %swap3A_538 {strides = array<i32>} : memref<4x128xi32, #tpu.memory_space<vmem>>, vector<1x16xi32>,
      %add3A_539 = arith.constant 256 : i32
      %add3A_540 = arith.addi %mul3A_13, %add3A_539 : i32
      %add3A_541 = arith.constant 96 : i32
      %add3A_542 = arith.addi %add3A_540, %add3A_541 : i32
      %add3A_543 = vector.broadcast %add3A_542 : i32 to vector<16xi32>
      %add3A_544 = arith.addi %add3A_543, %iota3A : vector<16xi32>
      %rem3A_545 = arith.constant 200 : i32
      %rem3A_546 = vector.broadcast %rem3A_545 : i32 to vector<16xi32>
      %rem3A_547 = arith.remsi %add3A_544, %rem3A_546 : vector<16xi32>
      %get3A_548 = arith.constant 2 : i32
      %get3A_549 = arith.index_cast %get3A_548 : i32 to index
      %get3A_550 = arith.constant 96 : index
      %get3A_551 = tpu.vector_load %arg8[%get3A_549, %get3A_550] {strides = array<i32>} : memref<4x128xi32, #tpu.memory_space<vmem>>, vector<1x16xi32>,
      %get3A_552 = vector.shape_cast %get3A_551 : vector<1x16xi32> to vector<16xi32>
      %mul3A_553 = arith.constant 200 : i32
      %mul3A_554 = vector.broadcast %mul3A_553 : i32 to vector<16xi32>
      %mul3A_555 = arith.muli %get3A_552, %mul3A_554 : vector<16xi32>
      %add3A_556 = arith.addi %mul3A_555, %rem3A_547 : vector<16xi32>
      %swap3A_557 = arith.constant 2 : i32
      %swap3A_558 = arith.index_cast %swap3A_557 : i32 to index
      %swap3A_559 = arith.constant 96 : index
      %swap3A_560 = tpu.vector_load %arg9[%swap3A_558, %swap3A_559] {strides = array<i32>} : memref<4x128xi32, #tpu.memory_space<vmem>>, vector<1x16xi32>,
      %swap3A_561 = vector.shape_cast %swap3A_560 : vector<1x16xi32> to vector<16xi32>
      %swap3A_562 = vector.shape_cast %add3A_556 : vector<16xi32> to vector<1x16xi32>
      tpu.vector_store %arg9[%swap3A_558, %swap3A_559], %swap3A_562 {strides = array<i32>} : memref<4x128xi32, #tpu.memory_space<vmem>>, vector<1x16xi32>,
      %add3A_563 = arith.constant 256 : i32
      %add3A_564 = arith.addi %mul3A_13, %add3A_563 : i32
      %add3A_565 = arith.constant 112 : i32
      %add3A_566 = arith.addi %add3A_564, %add3A_565 : i32
      %add3A_567 = vector.broadcast %add3A_566 : i32 to vector<16xi32>
      %add3A_568 = arith.addi %add3A_567, %iota3A : vector<16xi32>
      %rem3A_569 = arith.constant 200 : i32
      %rem3A_570 = vector.broadcast %rem3A_569 : i32 to vector<16xi32>
      %rem3A_571 = arith.remsi %add3A_568, %rem3A_570 : vector<16xi32>
      %get3A_572 = arith.constant 2 : i32
      %get3A_573 = arith.index_cast %get3A_572 : i32 to index
      %get3A_574 = arith.constant 112 : index
      %get3A_575 = tpu.vector_load %arg8[%get3A_573, %get3A_574] {strides = array<i32>} : memref<4x128xi32, #tpu.memory_space<vmem>>, vector<1x16xi32>,
      %get3A_576 = vector.shape_cast %get3A_575 : vector<1x16xi32> to vector<16xi32>
      %mul3A_577 = arith.constant 200 : i32
      %mul3A_578 = vector.broadcast %mul3A_577 : i32 to vector<16xi32>
      %mul3A_579 = arith.muli %get3A_576, %mul3A_578 : vector<16xi32>
      %add3A_580 = arith.addi %mul3A_579, %rem3A_571 : vector<16xi32>
      %swap3A_581 = arith.constant 2 : i32
      %swap3A_582 = arith.index_cast %swap3A_581 : i32 to index
      %swap3A_583 = arith.constant 112 : index
      %swap3A_584 = tpu.vector_load %arg9[%swap3A_582, %swap3A_583] {strides = array<i32>} : memref<4x128xi32, #tpu.memory_space<vmem>>, vector<1x16xi32>,
      %swap3A_585 = vector.shape_cast %swap3A_584 : vector<1x16xi32> to vector<16xi32>
      %swap3A_586 = vector.shape_cast %add3A_580 : vector<16xi32> to vector<1x16xi32>
      tpu.vector_store %arg9[%swap3A_582, %swap3A_583], %swap3A_586 {strides = array<i32>} : memref<4x128xi32, #tpu.memory_space<vmem>>, vector<1x16xi32>,
      %add3A_587 = arith.constant 384 : i32
      %add3A_588 = arith.addi %mul3A_13, %add3A_587 : i32
      %add3A_589 = arith.constant 0 : i32
      %add3A_590 = arith.addi %add3A_588, %add3A_589 : i32
      %add3A_591 = vector.broadcast %add3A_590 : i32 to vector<16xi32>
      %add3A_592 = arith.addi %add3A_591, %iota3A : vector<16xi32>
      %rem3A_593 = arith.constant 200 : i32
      %rem3A_594 = vector.broadcast %rem3A_593 : i32 to vector<16xi32>
      %rem3A_595 = arith.remsi %add3A_592, %rem3A_594 : vector<16xi32>
      %get3A_596 = arith.constant 3 : i32
      %get3A_597 = arith.index_cast %get3A_596 : i32 to index
      %get3A_598 = arith.constant 0 : index
      %get3A_599 = tpu.vector_load %arg8[%get3A_597, %get3A_598] {strides = array<i32>} : memref<4x128xi32, #tpu.memory_space<vmem>>, vector<1x16xi32>,
      %get3A_600 = vector.shape_cast %get3A_599 : vector<1x16xi32> to vector<16xi32>
      %mul3A_601 = arith.constant 200 : i32
      %mul3A_602 = vector.broadcast %mul3A_601 : i32 to vector<16xi32>
      %mul3A_603 = arith.muli %get3A_600, %mul3A_602 : vector<16xi32>
      %add3A_604 = arith.addi %mul3A_603, %rem3A_595 : vector<16xi32>
      %swap3A_605 = arith.constant 3 : i32
      %swap3A_606 = arith.index_cast %swap3A_605 : i32 to index
      %swap3A_607 = arith.constant 0 : index
      %swap3A_608 = tpu.vector_load %arg9[%swap3A_606, %swap3A_607] {strides = array<i32>} : memref<4x128xi32, #tpu.memory_space<vmem>>, vector<1x16xi32>,
      %swap3A_609 = vector.shape_cast %swap3A_608 : vector<1x16xi32> to vector<16xi32>
      %swap3A_610 = vector.shape_cast %add3A_604 : vector<16xi32> to vector<1x16xi32>
      tpu.vector_store %arg9[%swap3A_606, %swap3A_607], %swap3A_610 {strides = array<i32>} : memref<4x128xi32, #tpu.memory_space<vmem>>, vector<1x16xi32>,
      %add3A_611 = arith.constant 384 : i32
      %add3A_612 = arith.addi %mul3A_13, %add3A_611 : i32
      %add3A_613 = arith.constant 16 : i32
      %add3A_614 = arith.addi %add3A_612, %add3A_613 : i32
      %add3A_615 = vector.broadcast %add3A_614 : i32 to vector<16xi32>
      %add3A_616 = arith.addi %add3A_615, %iota3A : vector<16xi32>
      %rem3A_617 = arith.constant 200 : i32
      %rem3A_618 = vector.broadcast %rem3A_617 : i32 to vector<16xi32>
      %rem3A_619 = arith.remsi %add3A_616, %rem3A_618 : vector<16xi32>
      %get3A_620 = arith.constant 3 : i32
      %get3A_621 = arith.index_cast %get3A_620 : i32 to index
      %get3A_622 = arith.constant 16 : index
      %get3A_623 = tpu.vector_load %arg8[%get3A_621, %get3A_622] {strides = array<i32>} : memref<4x128xi32, #tpu.memory_space<vmem>>, vector<1x16xi32>,
      %get3A_624 = vector.shape_cast %get3A_623 : vector<1x16xi32> to vector<16xi32>
      %mul3A_625 = arith.constant 200 : i32
      %mul3A_626 = vector.broadcast %mul3A_625 : i32 to vector<16xi32>
      %mul3A_627 = arith.muli %get3A_624, %mul3A_626 : vector<16xi32>
      %add3A_628 = arith.addi %mul3A_627, %rem3A_619 : vector<16xi32>
      %swap3A_629 = arith.constant 3 : i32
      %swap3A_630 = arith.index_cast %swap3A_629 : i32 to index
      %swap3A_631 = arith.constant 16 : index
      %swap3A_632 = tpu.vector_load %arg9[%swap3A_630, %swap3A_631] {strides = array<i32>} : memref<4x128xi32, #tpu.memory_space<vmem>>, vector<1x16xi32>,
      %swap3A_633 = vector.shape_cast %swap3A_632 : vector<1x16xi32> to vector<16xi32>
      %swap3A_634 = vector.shape_cast %add3A_628 : vector<16xi32> to vector<1x16xi32>
      tpu.vector_store %arg9[%swap3A_630, %swap3A_631], %swap3A_634 {strides = array<i32>} : memref<4x128xi32, #tpu.memory_space<vmem>>, vector<1x16xi32>,
      %add3A_635 = arith.constant 384 : i32
      %add3A_636 = arith.addi %mul3A_13, %add3A_635 : i32
      %add3A_637 = arith.constant 32 : i32
      %add3A_638 = arith.addi %add3A_636, %add3A_637 : i32
      %add3A_639 = vector.broadcast %add3A_638 : i32 to vector<16xi32>
      %add3A_640 = arith.addi %add3A_639, %iota3A : vector<16xi32>
      %rem3A_641 = arith.constant 200 : i32
      %rem3A_642 = vector.broadcast %rem3A_641 : i32 to vector<16xi32>
      %rem3A_643 = arith.remsi %add3A_640, %rem3A_642 : vector<16xi32>
      %get3A_644 = arith.constant 3 : i32
      %get3A_645 = arith.index_cast %get3A_644 : i32 to index
      %get3A_646 = arith.constant 32 : index
      %get3A_647 = tpu.vector_load %arg8[%get3A_645, %get3A_646] {strides = array<i32>} : memref<4x128xi32, #tpu.memory_space<vmem>>, vector<1x16xi32>,
      %get3A_648 = vector.shape_cast %get3A_647 : vector<1x16xi32> to vector<16xi32>
      %mul3A_649 = arith.constant 200 : i32
      %mul3A_650 = vector.broadcast %mul3A_649 : i32 to vector<16xi32>
      %mul3A_651 = arith.muli %get3A_648, %mul3A_650 : vector<16xi32>
      %add3A_652 = arith.addi %mul3A_651, %rem3A_643 : vector<16xi32>
      %swap3A_653 = arith.constant 3 : i32
      %swap3A_654 = arith.index_cast %swap3A_653 : i32 to index
      %swap3A_655 = arith.constant 32 : index
      %swap3A_656 = tpu.vector_load %arg9[%swap3A_654, %swap3A_655] {strides = array<i32>} : memref<4x128xi32, #tpu.memory_space<vmem>>, vector<1x16xi32>,
      %swap3A_657 = vector.shape_cast %swap3A_656 : vector<1x16xi32> to vector<16xi32>
      %swap3A_658 = vector.shape_cast %add3A_652 : vector<16xi32> to vector<1x16xi32>
      tpu.vector_store %arg9[%swap3A_654, %swap3A_655], %swap3A_658 {strides = array<i32>} : memref<4x128xi32, #tpu.memory_space<vmem>>, vector<1x16xi32>,
      %add3A_659 = arith.constant 384 : i32
      %add3A_660 = arith.addi %mul3A_13, %add3A_659 : i32
      %add3A_661 = arith.constant 48 : i32
      %add3A_662 = arith.addi %add3A_660, %add3A_661 : i32
      %add3A_663 = vector.broadcast %add3A_662 : i32 to vector<16xi32>
      %add3A_664 = arith.addi %add3A_663, %iota3A : vector<16xi32>
      %rem3A_665 = arith.constant 200 : i32
      %rem3A_666 = vector.broadcast %rem3A_665 : i32 to vector<16xi32>
      %rem3A_667 = arith.remsi %add3A_664, %rem3A_666 : vector<16xi32>
      %get3A_668 = arith.constant 3 : i32
      %get3A_669 = arith.index_cast %get3A_668 : i32 to index
      %get3A_670 = arith.constant 48 : index
      %get3A_671 = tpu.vector_load %arg8[%get3A_669, %get3A_670] {strides = array<i32>} : memref<4x128xi32, #tpu.memory_space<vmem>>, vector<1x16xi32>,
      %get3A_672 = vector.shape_cast %get3A_671 : vector<1x16xi32> to vector<16xi32>
      %mul3A_673 = arith.constant 200 : i32
      %mul3A_674 = vector.broadcast %mul3A_673 : i32 to vector<16xi32>
      %mul3A_675 = arith.muli %get3A_672, %mul3A_674 : vector<16xi32>
      %add3A_676 = arith.addi %mul3A_675, %rem3A_667 : vector<16xi32>
      %swap3A_677 = arith.constant 3 : i32
      %swap3A_678 = arith.index_cast %swap3A_677 : i32 to index
      %swap3A_679 = arith.constant 48 : index
      %swap3A_680 = tpu.vector_load %arg9[%swap3A_678, %swap3A_679] {strides = array<i32>} : memref<4x128xi32, #tpu.memory_space<vmem>>, vector<1x16xi32>,
      %swap3A_681 = vector.shape_cast %swap3A_680 : vector<1x16xi32> to vector<16xi32>
      %swap3A_682 = vector.shape_cast %add3A_676 : vector<16xi32> to vector<1x16xi32>
      tpu.vector_store %arg9[%swap3A_678, %swap3A_679], %swap3A_682 {strides = array<i32>} : memref<4x128xi32, #tpu.memory_space<vmem>>, vector<1x16xi32>,
      %add3A_683 = arith.constant 384 : i32
      %add3A_684 = arith.addi %mul3A_13, %add3A_683 : i32
      %add3A_685 = arith.constant 64 : i32
      %add3A_686 = arith.addi %add3A_684, %add3A_685 : i32
      %add3A_687 = vector.broadcast %add3A_686 : i32 to vector<16xi32>
      %add3A_688 = arith.addi %add3A_687, %iota3A : vector<16xi32>
      %rem3A_689 = arith.constant 200 : i32
      %rem3A_690 = vector.broadcast %rem3A_689 : i32 to vector<16xi32>
      %rem3A_691 = arith.remsi %add3A_688, %rem3A_690 : vector<16xi32>
      %get3A_692 = arith.constant 3 : i32
      %get3A_693 = arith.index_cast %get3A_692 : i32 to index
      %get3A_694 = arith.constant 64 : index
      %get3A_695 = tpu.vector_load %arg8[%get3A_693, %get3A_694] {strides = array<i32>} : memref<4x128xi32, #tpu.memory_space<vmem>>, vector<1x16xi32>,
      %get3A_696 = vector.shape_cast %get3A_695 : vector<1x16xi32> to vector<16xi32>
      %mul3A_697 = arith.constant 200 : i32
      %mul3A_698 = vector.broadcast %mul3A_697 : i32 to vector<16xi32>
      %mul3A_699 = arith.muli %get3A_696, %mul3A_698 : vector<16xi32>
      %add3A_700 = arith.addi %mul3A_699, %rem3A_691 : vector<16xi32>
      %swap3A_701 = arith.constant 3 : i32
      %swap3A_702 = arith.index_cast %swap3A_701 : i32 to index
      %swap3A_703 = arith.constant 64 : index
      %swap3A_704 = tpu.vector_load %arg9[%swap3A_702, %swap3A_703] {strides = array<i32>} : memref<4x128xi32, #tpu.memory_space<vmem>>, vector<1x16xi32>,
      %swap3A_705 = vector.shape_cast %swap3A_704 : vector<1x16xi32> to vector<16xi32>
      %swap3A_706 = vector.shape_cast %add3A_700 : vector<16xi32> to vector<1x16xi32>
      tpu.vector_store %arg9[%swap3A_702, %swap3A_703], %swap3A_706 {strides = array<i32>} : memref<4x128xi32, #tpu.memory_space<vmem>>, vector<1x16xi32>,
      %add3A_707 = arith.constant 384 : i32
      %add3A_708 = arith.addi %mul3A_13, %add3A_707 : i32
      %add3A_709 = arith.constant 80 : i32
      %add3A_710 = arith.addi %add3A_708, %add3A_709 : i32
      %add3A_711 = vector.broadcast %add3A_710 : i32 to vector<16xi32>
      %add3A_712 = arith.addi %add3A_711, %iota3A : vector<16xi32>
      %rem3A_713 = arith.constant 200 : i32
      %rem3A_714 = vector.broadcast %rem3A_713 : i32 to vector<16xi32>
      %rem3A_715 = arith.remsi %add3A_712, %rem3A_714 : vector<16xi32>
      %get3A_716 = arith.constant 3 : i32
      %get3A_717 = arith.index_cast %get3A_716 : i32 to index
      %get3A_718 = arith.constant 80 : index
      %get3A_719 = tpu.vector_load %arg8[%get3A_717, %get3A_718] {strides = array<i32>} : memref<4x128xi32, #tpu.memory_space<vmem>>, vector<1x16xi32>,
      %get3A_720 = vector.shape_cast %get3A_719 : vector<1x16xi32> to vector<16xi32>
      %mul3A_721 = arith.constant 200 : i32
      %mul3A_722 = vector.broadcast %mul3A_721 : i32 to vector<16xi32>
      %mul3A_723 = arith.muli %get3A_720, %mul3A_722 : vector<16xi32>
      %add3A_724 = arith.addi %mul3A_723, %rem3A_715 : vector<16xi32>
      %swap3A_725 = arith.constant 3 : i32
      %swap3A_726 = arith.index_cast %swap3A_725 : i32 to index
      %swap3A_727 = arith.constant 80 : index
      %swap3A_728 = tpu.vector_load %arg9[%swap3A_726, %swap3A_727] {strides = array<i32>} : memref<4x128xi32, #tpu.memory_space<vmem>>, vector<1x16xi32>,
      %swap3A_729 = vector.shape_cast %swap3A_728 : vector<1x16xi32> to vector<16xi32>
      %swap3A_730 = vector.shape_cast %add3A_724 : vector<16xi32> to vector<1x16xi32>
      tpu.vector_store %arg9[%swap3A_726, %swap3A_727], %swap3A_730 {strides = array<i32>} : memref<4x128xi32, #tpu.memory_space<vmem>>, vector<1x16xi32>,
      %add3A_731 = arith.constant 384 : i32
      %add3A_732 = arith.addi %mul3A_13, %add3A_731 : i32
      %add3A_733 = arith.constant 96 : i32
      %add3A_734 = arith.addi %add3A_732, %add3A_733 : i32
      %add3A_735 = vector.broadcast %add3A_734 : i32 to vector<16xi32>
      %add3A_736 = arith.addi %add3A_735, %iota3A : vector<16xi32>
      %rem3A_737 = arith.constant 200 : i32
      %rem3A_738 = vector.broadcast %rem3A_737 : i32 to vector<16xi32>
      %rem3A_739 = arith.remsi %add3A_736, %rem3A_738 : vector<16xi32>
      %get3A_740 = arith.constant 3 : i32
      %get3A_741 = arith.index_cast %get3A_740 : i32 to index
      %get3A_742 = arith.constant 96 : index
      %get3A_743 = tpu.vector_load %arg8[%get3A_741, %get3A_742] {strides = array<i32>} : memref<4x128xi32, #tpu.memory_space<vmem>>, vector<1x16xi32>,
      %get3A_744 = vector.shape_cast %get3A_743 : vector<1x16xi32> to vector<16xi32>
      %mul3A_745 = arith.constant 200 : i32
      %mul3A_746 = vector.broadcast %mul3A_745 : i32 to vector<16xi32>
      %mul3A_747 = arith.muli %get3A_744, %mul3A_746 : vector<16xi32>
      %add3A_748 = arith.addi %mul3A_747, %rem3A_739 : vector<16xi32>
      %swap3A_749 = arith.constant 3 : i32
      %swap3A_750 = arith.index_cast %swap3A_749 : i32 to index
      %swap3A_751 = arith.constant 96 : index
      %swap3A_752 = tpu.vector_load %arg9[%swap3A_750, %swap3A_751] {strides = array<i32>} : memref<4x128xi32, #tpu.memory_space<vmem>>, vector<1x16xi32>,
      %swap3A_753 = vector.shape_cast %swap3A_752 : vector<1x16xi32> to vector<16xi32>
      %swap3A_754 = vector.shape_cast %add3A_748 : vector<16xi32> to vector<1x16xi32>
      tpu.vector_store %arg9[%swap3A_750, %swap3A_751], %swap3A_754 {strides = array<i32>} : memref<4x128xi32, #tpu.memory_space<vmem>>, vector<1x16xi32>,
      %add3A_755 = arith.constant 384 : i32
      %add3A_756 = arith.addi %mul3A_13, %add3A_755 : i32
      %add3A_757 = arith.constant 112 : i32
      %add3A_758 = arith.addi %add3A_756, %add3A_757 : i32
      %add3A_759 = vector.broadcast %add3A_758 : i32 to vector<16xi32>
      %add3A_760 = arith.addi %add3A_759, %iota3A : vector<16xi32>
      %rem3A_761 = arith.constant 200 : i32
      %rem3A_762 = vector.broadcast %rem3A_761 : i32 to vector<16xi32>
      %rem3A_763 = arith.remsi %add3A_760, %rem3A_762 : vector<16xi32>
      %get3A_764 = arith.constant 3 : i32
      %get3A_765 = arith.index_cast %get3A_764 : i32 to index
      %get3A_766 = arith.constant 112 : index
      %get3A_767 = tpu.vector_load %arg8[%get3A_765, %get3A_766] {strides = array<i32>} : memref<4x128xi32, #tpu.memory_space<vmem>>, vector<1x16xi32>,
      %get3A_768 = vector.shape_cast %get3A_767 : vector<1x16xi32> to vector<16xi32>
      %mul3A_769 = arith.constant 200 : i32
      %mul3A_770 = vector.broadcast %mul3A_769 : i32 to vector<16xi32>
      %mul3A_771 = arith.muli %get3A_768, %mul3A_770 : vector<16xi32>
      %add3A_772 = arith.addi %mul3A_771, %rem3A_763 : vector<16xi32>
      %swap3A_773 = arith.constant 3 : i32
      %swap3A_774 = arith.index_cast %swap3A_773 : i32 to index
      %swap3A_775 = arith.constant 112 : index
      %swap3A_776 = tpu.vector_load %arg9[%swap3A_774, %swap3A_775] {strides = array<i32>} : memref<4x128xi32, #tpu.memory_space<vmem>>, vector<1x16xi32>,
      %swap3A_777 = vector.shape_cast %swap3A_776 : vector<1x16xi32> to vector<16xi32>
      %swap3A_778 = vector.shape_cast %add3A_772 : vector<16xi32> to vector<1x16xi32>
      tpu.vector_store %arg9[%swap3A_774, %swap3A_775], %swap3A_778 {strides = array<i32>} : memref<4x128xi32, #tpu.memory_space<vmem>>, vector<1x16xi32>,
      %dma_start3A = arith.constant 0 : i32
      %dma_start3A_779 = arith.constant 0 : i32
      %dma_start3A_780 = arith.constant 0 : i32
      %dma_start3A_781 = arith.constant 0 : i32
      %dma_start3A_782 = tpu.memref_slice %arg10[%dma_start3A_779, %dma_start3A_780, %dma_start3A_781] : memref<4x128x64xf32, #tpu.memory_space<vmem>> -> memref<1x128x64xf32, #tpu.memory_space<vmem>>
      %dma_start3A_783 = tpu.memref_squeeze %dma_start3A_782 : memref<1x128x64xf32, #tpu.memory_space<vmem>> -> memref<128x64xf32, #tpu.memory_space<vmem>>
      %dma_start3A_784 = arith.constant 0 : i32
      %dma_start3A_785 = tpu.memref_slice %arg9[%dma_start3A, %dma_start3A_784] : memref<4x128xi32, #tpu.memory_space<vmem>> -> memref<1x128xi32, #tpu.memory_space<vmem>>
      %dma_start3A_786 = tpu.memref_squeeze %dma_start3A_785 : memref<1x128xi32, #tpu.memory_space<vmem>> -> memref<128xi32, #tpu.memory_space<vmem>>
      %dma_start3A_787 = arith.constant 0 : i32
      %dma_start3A_788 = arith.constant 0 : i32
      %dma_start3A_789 = tpu.memref_slice %arg5[%dma_start3A_787, %dma_start3A_788] : memref<600x64xf32, #tpu.memory_space<hbm>> -> memref<600x64xf32, #tpu.memory_space<hbm>>
      tpu.enqueue_indirect_dma source(%dma_start3A_789 : memref<600x64xf32, #tpu.memory_space<hbm>>) target(%dma_start3A_783 : memref<128x64xf32, #tpu.memory_space<vmem>>) offsets(%dma_start3A_786 : memref<128xi32, #tpu.memory_space<vmem>>) semaphore(%arg12 : memref<!tpu.dma_semaphore, #tpu.memory_space<semaphore_mem>>)
      %dma_start3A_790 = arith.constant 1 : i32
      %dma_start3A_791 = arith.constant 1 : i32
      %dma_start3A_792 = arith.constant 0 : i32
      %dma_start3A_793 = arith.constant 0 : i32
      %dma_start3A_794 = tpu.memref_slice %arg10[%dma_start3A_791, %dma_start3A_792, %dma_start3A_793] : memref<4x128x64xf32, #tpu.memory_space<vmem>> -> memref<1x128x64xf32, #tpu.memory_space<vmem>>
      %dma_start3A_795 = tpu.memref_squeeze %dma_start3A_794 : memref<1x128x64xf32, #tpu.memory_space<vmem>> -> memref<128x64xf32, #tpu.memory_space<vmem>>
      %dma_start3A_796 = arith.constant 0 : i32
      %dma_start3A_797 = tpu.memref_slice %arg9[%dma_start3A_790, %dma_start3A_796] : memref<4x128xi32, #tpu.memory_space<vmem>> -> memref<1x128xi32, #tpu.memory_space<vmem>>
      %dma_start3A_798 = tpu.memref_squeeze %dma_start3A_797 : memref<1x128xi32, #tpu.memory_space<vmem>> -> memref<128xi32, #tpu.memory_space<vmem>>
      %dma_start3A_799 = arith.constant 0 : i32
      %dma_start3A_800 = arith.constant 0 : i32
      %dma_start3A_801 = tpu.memref_slice %arg5[%dma_start3A_799, %dma_start3A_800] : memref<600x64xf32, #tpu.memory_space<hbm>> -> memref<600x64xf32, #tpu.memory_space<hbm>>
      tpu.enqueue_indirect_dma source(%dma_start3A_801 : memref<600x64xf32, #tpu.memory_space<hbm>>) target(%dma_start3A_795 : memref<128x64xf32, #tpu.memory_space<vmem>>) offsets(%dma_start3A_798 : memref<128xi32, #tpu.memory_space<vmem>>) semaphore(%arg12 : memref<!tpu.dma_semaphore, #tpu.memory_space<semaphore_mem>>)
      %dma_start3A_802 = arith.constant 2 : i32
      %dma_start3A_803 = arith.constant 2 : i32
      %dma_start3A_804 = arith.constant 0 : i32
      %dma_start3A_805 = arith.constant 0 : i32
      %dma_start3A_806 = tpu.memref_slice %arg10[%dma_start3A_803, %dma_start3A_804, %dma_start3A_805] : memref<4x128x64xf32, #tpu.memory_space<vmem>> -> memref<1x128x64xf32, #tpu.memory_space<vmem>>
      %dma_start3A_807 = tpu.memref_squeeze %dma_start3A_806 : memref<1x128x64xf32, #tpu.memory_space<vmem>> -> memref<128x64xf32, #tpu.memory_space<vmem>>
      %dma_start3A_808 = arith.constant 0 : i32
      %dma_start3A_809 = tpu.memref_slice %arg9[%dma_start3A_802, %dma_start3A_808] : memref<4x128xi32, #tpu.memory_space<vmem>> -> memref<1x128xi32, #tpu.memory_space<vmem>>
      %dma_start3A_810 = tpu.memref_squeeze %dma_start3A_809 : memref<1x128xi32, #tpu.memory_space<vmem>> -> memref<128xi32, #tpu.memory_space<vmem>>
      %dma_start3A_811 = arith.constant 0 : i32
      %dma_start3A_812 = arith.constant 0 : i32
      %dma_start3A_813 = tpu.memref_slice %arg5[%dma_start3A_811, %dma_start3A_812] : memref<600x64xf32, #tpu.memory_space<hbm>> -> memref<600x64xf32, #tpu.memory_space<hbm>>
      tpu.enqueue_indirect_dma source(%dma_start3A_813 : memref<600x64xf32, #tpu.memory_space<hbm>>) target(%dma_start3A_807 : memref<128x64xf32, #tpu.memory_space<vmem>>) offsets(%dma_start3A_810 : memref<128xi32, #tpu.memory_space<vmem>>) semaphore(%arg12 : memref<!tpu.dma_semaphore, #tpu.memory_space<semaphore_mem>>)
      %dma_start3A_814 = arith.constant 3 : i32
      %dma_start3A_815 = arith.constant 3 : i32
      %dma_start3A_816 = arith.constant 0 : i32
      %dma_start3A_817 = arith.constant 0 : i32
      %dma_start3A_818 = tpu.memref_slice %arg10[%dma_start3A_815, %dma_start3A_816, %dma_start3A_817] : memref<4x128x64xf32, #tpu.memory_space<vmem>> -> memref<1x128x64xf32, #tpu.memory_space<vmem>>
      %dma_start3A_819 = tpu.memref_squeeze %dma_start3A_818 : memref<1x128x64xf32, #tpu.memory_space<vmem>> -> memref<128x64xf32, #tpu.memory_space<vmem>>
      %dma_start3A_820 = arith.constant 0 : i32
      %dma_start3A_821 = tpu.memref_slice %arg9[%dma_start3A_814, %dma_start3A_820] : memref<4x128xi32, #tpu.memory_space<vmem>> -> memref<1x128xi32, #tpu.memory_space<vmem>>
      %dma_start3A_822 = tpu.memref_squeeze %dma_start3A_821 : memref<1x128xi32, #tpu.memory_space<vmem>> -> memref<128xi32, #tpu.memory_space<vmem>>
      %dma_start3A_823 = arith.constant 0 : i32
      %dma_start3A_824 = arith.constant 0 : i32
      %dma_start3A_825 = tpu.memref_slice %arg5[%dma_start3A_823, %dma_start3A_824] : memref<600x64xf32, #tpu.memory_space<hbm>> -> memref<600x64xf32, #tpu.memory_space<hbm>>
      tpu.enqueue_indirect_dma source(%dma_start3A_825 : memref<600x64xf32, #tpu.memory_space<hbm>>) target(%dma_start3A_819 : memref<128x64xf32, #tpu.memory_space<vmem>>) offsets(%dma_start3A_822 : memref<128xi32, #tpu.memory_space<vmem>>) semaphore(%arg12 : memref<!tpu.dma_semaphore, #tpu.memory_space<semaphore_mem>>)
      %dma_wait3A = arith.constant 0 : i32
      %dma_wait3A_826 = arith.constant 0 : i32
      %dma_wait3A_827 = arith.constant 0 : i32
      %dma_wait3A_828 = arith.constant 0 : i32
      %dma_wait3A_829 = tpu.memref_slice %arg10[%dma_wait3A_826, %dma_wait3A_827, %dma_wait3A_828] : memref<4x128x64xf32, #tpu.memory_space<vmem>> -> memref<1x128x64xf32, #tpu.memory_space<vmem>>
      %dma_wait3A_830 = tpu.memref_squeeze %dma_wait3A_829 : memref<1x128x64xf32, #tpu.memory_space<vmem>> -> memref<128x64xf32, #tpu.memory_space<vmem>>
      %dma_wait3A_831 = arith.constant 0 : i32
      %dma_wait3A_832 = tpu.memref_slice %arg9[%dma_wait3A, %dma_wait3A_831] : memref<4x128xi32, #tpu.memory_space<vmem>> -> memref<1x128xi32, #tpu.memory_space<vmem>>
      %dma_wait3A_833 = tpu.memref_squeeze %dma_wait3A_832 : memref<1x128xi32, #tpu.memory_space<vmem>> -> memref<128xi32, #tpu.memory_space<vmem>>
      %dma_wait3A_834 = arith.constant 0 : i32
      %dma_wait3A_835 = arith.constant 0 : i32
      %dma_wait3A_836 = tpu.memref_slice %arg5[%dma_wait3A_834, %dma_wait3A_835] : memref<600x64xf32, #tpu.memory_space<hbm>> -> memref<600x64xf32, #tpu.memory_space<hbm>>
      tpu.wait_indirect_dma semaphore(%arg12 : memref<!tpu.dma_semaphore, #tpu.memory_space<semaphore_mem>>) src(%dma_wait3A_836 : memref<600x64xf32, #tpu.memory_space<hbm>>) dst(%dma_wait3A_830 : memref<128x64xf32, #tpu.memory_space<vmem>>)
      %dma_wait3A_837 = arith.constant 1 : i32
      %dma_wait3A_838 = arith.constant 1 : i32
      %dma_wait3A_839 = arith.constant 0 : i32
      %dma_wait3A_840 = arith.constant 0 : i32
      %dma_wait3A_841 = tpu.memref_slice %arg10[%dma_wait3A_838, %dma_wait3A_839, %dma_wait3A_840] : memref<4x128x64xf32, #tpu.memory_space<vmem>> -> memref<1x128x64xf32, #tpu.memory_space<vmem>>
      %dma_wait3A_842 = tpu.memref_squeeze %dma_wait3A_841 : memref<1x128x64xf32, #tpu.memory_space<vmem>> -> memref<128x64xf32, #tpu.memory_space<vmem>>
      %dma_wait3A_843 = arith.constant 0 : i32
      %dma_wait3A_844 = tpu.memref_slice %arg9[%dma_wait3A_837, %dma_wait3A_843] : memref<4x128xi32, #tpu.memory_space<vmem>> -> memref<1x128xi32, #tpu.memory_space<vmem>>
      %dma_wait3A_845 = tpu.memref_squeeze %dma_wait3A_844 : memref<1x128xi32, #tpu.memory_space<vmem>> -> memref<128xi32, #tpu.memory_space<vmem>>
      %dma_wait3A_846 = arith.constant 0 : i32
      %dma_wait3A_847 = arith.constant 0 : i32
      %dma_wait3A_848 = tpu.memref_slice %arg5[%dma_wait3A_846, %dma_wait3A_847] : memref<600x64xf32, #tpu.memory_space<hbm>> -> memref<600x64xf32, #tpu.memory_space<hbm>>
      tpu.wait_indirect_dma semaphore(%arg12 : memref<!tpu.dma_semaphore, #tpu.memory_space<semaphore_mem>>) src(%dma_wait3A_848 : memref<600x64xf32, #tpu.memory_space<hbm>>) dst(%dma_wait3A_842 : memref<128x64xf32, #tpu.memory_space<vmem>>)
      %dma_wait3A_849 = arith.constant 2 : i32
      %dma_wait3A_850 = arith.constant 2 : i32
      %dma_wait3A_851 = arith.constant 0 : i32
      %dma_wait3A_852 = arith.constant 0 : i32
      %dma_wait3A_853 = tpu.memref_slice %arg10[%dma_wait3A_850, %dma_wait3A_851, %dma_wait3A_852] : memref<4x128x64xf32, #tpu.memory_space<vmem>> -> memref<1x128x64xf32, #tpu.memory_space<vmem>>
      %dma_wait3A_854 = tpu.memref_squeeze %dma_wait3A_853 : memref<1x128x64xf32, #tpu.memory_space<vmem>> -> memref<128x64xf32, #tpu.memory_space<vmem>>
      %dma_wait3A_855 = arith.constant 0 : i32
      %dma_wait3A_856 = tpu.memref_slice %arg9[%dma_wait3A_849, %dma_wait3A_855] : memref<4x128xi32, #tpu.memory_space<vmem>> -> memref<1x128xi32, #tpu.memory_space<vmem>>
      %dma_wait3A_857 = tpu.memref_squeeze %dma_wait3A_856 : memref<1x128xi32, #tpu.memory_space<vmem>> -> memref<128xi32, #tpu.memory_space<vmem>>
      %dma_wait3A_858 = arith.constant 0 : i32
      %dma_wait3A_859 = arith.constant 0 : i32
      %dma_wait3A_860 = tpu.memref_slice %arg5[%dma_wait3A_858, %dma_wait3A_859] : memref<600x64xf32, #tpu.memory_space<hbm>> -> memref<600x64xf32, #tpu.memory_space<hbm>>
      tpu.wait_indirect_dma semaphore(%arg12 : memref<!tpu.dma_semaphore, #tpu.memory_space<semaphore_mem>>) src(%dma_wait3A_860 : memref<600x64xf32, #tpu.memory_space<hbm>>) dst(%dma_wait3A_854 : memref<128x64xf32, #tpu.memory_space<vmem>>)
      %dma_wait3A_861 = arith.constant 3 : i32
      %dma_wait3A_862 = arith.constant 3 : i32
      %dma_wait3A_863 = arith.constant 0 : i32
      %dma_wait3A_864 = arith.constant 0 : i32
      %dma_wait3A_865 = tpu.memref_slice %arg10[%dma_wait3A_862, %dma_wait3A_863, %dma_wait3A_864] : memref<4x128x64xf32, #tpu.memory_space<vmem>> -> memref<1x128x64xf32, #tpu.memory_space<vmem>>
      %dma_wait3A_866 = tpu.memref_squeeze %dma_wait3A_865 : memref<1x128x64xf32, #tpu.memory_space<vmem>> -> memref<128x64xf32, #tpu.memory_space<vmem>>
      %dma_wait3A_867 = arith.constant 0 : i32
      %dma_wait3A_868 = tpu.memref_slice %arg9[%dma_wait3A_861, %dma_wait3A_867] : memref<4x128xi32, #tpu.memory_space<vmem>> -> memref<1x128xi32, #tpu.memory_space<vmem>>
      %dma_wait3A_869 = tpu.memref_squeeze %dma_wait3A_868 : memref<1x128xi32, #tpu.memory_space<vmem>> -> memref<128xi32, #tpu.memory_space<vmem>>
      %dma_wait3A_870 = arith.constant 0 : i32
      %dma_wait3A_871 = arith.constant 0 : i32
      %dma_wait3A_872 = tpu.memref_slice %arg5[%dma_wait3A_870, %dma_wait3A_871] : memref<600x64xf32, #tpu.memory_space<hbm>> -> memref<600x64xf32, #tpu.memory_space<hbm>>
      tpu.wait_indirect_dma semaphore(%arg12 : memref<!tpu.dma_semaphore, #tpu.memory_space<semaphore_mem>>) src(%dma_wait3A_872 : memref<600x64xf32, #tpu.memory_space<hbm>>) dst(%dma_wait3A_866 : memref<128x64xf32, #tpu.memory_space<vmem>>)
      %dma_start3A_873 = arith.constant 0 : i32
      %dma_start3A_874 = arith.constant 0 : i32
      %dma_start3A_875 = arith.constant 0 : i32
      %dma_start3A_876 = arith.constant 0 : i32
      %dma_start3A_877 = tpu.memref_slice %arg10[%dma_start3A_874, %dma_start3A_875, %dma_start3A_876] : memref<4x128x64xf32, #tpu.memory_space<vmem>> -> memref<1x128x64xf32, #tpu.memory_space<vmem>>
      %dma_start3A_878 = tpu.memref_squeeze %dma_start3A_877 : memref<1x128x64xf32, #tpu.memory_space<vmem>> -> memref<128x64xf32, #tpu.memory_space<vmem>>
      %dma_start3A_879 = arith.constant 0 : i32
      %dma_start3A_880 = tpu.memref_slice %arg7[%dma_start3A_873, %dma_start3A_879] : memref<4x128xi32, #tpu.memory_space<vmem>> -> memref<1x128xi32, #tpu.memory_space<vmem>>
      %dma_start3A_881 = tpu.memref_squeeze %dma_start3A_880 : memref<1x128xi32, #tpu.memory_space<vmem>> -> memref<128xi32, #tpu.memory_space<vmem>>
      %dma_start3A_882 = arith.constant 0 : i32
      %dma_start3A_883 = arith.constant 0 : i32
      %dma_start3A_884 = tpu.memref_slice %arg4[%dma_start3A_882, %dma_start3A_883] : memref<1000000x64xf32, #tpu.memory_space<hbm>> -> memref<1000000x64xf32, #tpu.memory_space<hbm>>
      tpu.enqueue_indirect_dma source(%dma_start3A_884 : memref<1000000x64xf32, #tpu.memory_space<hbm>>) target(%dma_start3A_878 : memref<128x64xf32, #tpu.memory_space<vmem>>) offsets(%dma_start3A_881 : memref<128xi32, #tpu.memory_space<vmem>>) semaphore(%arg11 : memref<!tpu.dma_semaphore, #tpu.memory_space<semaphore_mem>>) {add = true}
      %dma_start3A_885 = arith.constant 1 : i32
      %dma_start3A_886 = arith.constant 1 : i32
      %dma_start3A_887 = arith.constant 0 : i32
      %dma_start3A_888 = arith.constant 0 : i32
      %dma_start3A_889 = tpu.memref_slice %arg10[%dma_start3A_886, %dma_start3A_887, %dma_start3A_888] : memref<4x128x64xf32, #tpu.memory_space<vmem>> -> memref<1x128x64xf32, #tpu.memory_space<vmem>>
      %dma_start3A_890 = tpu.memref_squeeze %dma_start3A_889 : memref<1x128x64xf32, #tpu.memory_space<vmem>> -> memref<128x64xf32, #tpu.memory_space<vmem>>
      %dma_start3A_891 = arith.constant 0 : i32
      %dma_start3A_892 = tpu.memref_slice %arg7[%dma_start3A_885, %dma_start3A_891] : memref<4x128xi32, #tpu.memory_space<vmem>> -> memref<1x128xi32, #tpu.memory_space<vmem>>
      %dma_start3A_893 = tpu.memref_squeeze %dma_start3A_892 : memref<1x128xi32, #tpu.memory_space<vmem>> -> memref<128xi32, #tpu.memory_space<vmem>>
      %dma_start3A_894 = arith.constant 0 : i32
      %dma_start3A_895 = arith.constant 0 : i32
      %dma_start3A_896 = tpu.memref_slice %arg4[%dma_start3A_894, %dma_start3A_895] : memref<1000000x64xf32, #tpu.memory_space<hbm>> -> memref<1000000x64xf32, #tpu.memory_space<hbm>>
      tpu.enqueue_indirect_dma source(%dma_start3A_896 : memref<1000000x64xf32, #tpu.memory_space<hbm>>) target(%dma_start3A_890 : memref<128x64xf32, #tpu.memory_space<vmem>>) offsets(%dma_start3A_893 : memref<128xi32, #tpu.memory_space<vmem>>) semaphore(%arg11 : memref<!tpu.dma_semaphore, #tpu.memory_space<semaphore_mem>>) {add = true}
      %dma_start3A_897 = arith.constant 2 : i32
      %dma_start3A_898 = arith.constant 2 : i32
      %dma_start3A_899 = arith.constant 0 : i32
      %dma_start3A_900 = arith.constant 0 : i32
      %dma_start3A_901 = tpu.memref_slice %arg10[%dma_start3A_898, %dma_start3A_899, %dma_start3A_900] : memref<4x128x64xf32, #tpu.memory_space<vmem>> -> memref<1x128x64xf32, #tpu.memory_space<vmem>>
      %dma_start3A_902 = tpu.memref_squeeze %dma_start3A_901 : memref<1x128x64xf32, #tpu.memory_space<vmem>> -> memref<128x64xf32, #tpu.memory_space<vmem>>
      %dma_start3A_903 = arith.constant 0 : i32
      %dma_start3A_904 = tpu.memref_slice %arg7[%dma_start3A_897, %dma_start3A_903] : memref<4x128xi32, #tpu.memory_space<vmem>> -> memref<1x128xi32, #tpu.memory_space<vmem>>
      %dma_start3A_905 = tpu.memref_squeeze %dma_start3A_904 : memref<1x128xi32, #tpu.memory_space<vmem>> -> memref<128xi32, #tpu.memory_space<vmem>>
      %dma_start3A_906 = arith.constant 0 : i32
      %dma_start3A_907 = arith.constant 0 : i32
      %dma_start3A_908 = tpu.memref_slice %arg4[%dma_start3A_906, %dma_start3A_907] : memref<1000000x64xf32, #tpu.memory_space<hbm>> -> memref<1000000x64xf32, #tpu.memory_space<hbm>>
      tpu.enqueue_indirect_dma source(%dma_start3A_908 : memref<1000000x64xf32, #tpu.memory_space<hbm>>) target(%dma_start3A_902 : memref<128x64xf32, #tpu.memory_space<vmem>>) offsets(%dma_start3A_905 : memref<128xi32, #tpu.memory_space<vmem>>) semaphore(%arg11 : memref<!tpu.dma_semaphore, #tpu.memory_space<semaphore_mem>>) {add = true}
      %dma_start3A_909 = arith.constant 3 : i32
      %dma_start3A_910 = arith.constant 3 : i32
      %dma_start3A_911 = arith.constant 0 : i32
      %dma_start3A_912 = arith.constant 0 : i32
      %dma_start3A_913 = tpu.memref_slice %arg10[%dma_start3A_910, %dma_start3A_911, %dma_start3A_912] : memref<4x128x64xf32, #tpu.memory_space<vmem>> -> memref<1x128x64xf32, #tpu.memory_space<vmem>>
      %dma_start3A_914 = tpu.memref_squeeze %dma_start3A_913 : memref<1x128x64xf32, #tpu.memory_space<vmem>> -> memref<128x64xf32, #tpu.memory_space<vmem>>
      %dma_start3A_915 = arith.constant 0 : i32
      %dma_start3A_916 = tpu.memref_slice %arg7[%dma_start3A_909, %dma_start3A_915] : memref<4x128xi32, #tpu.memory_space<vmem>> -> memref<1x128xi32, #tpu.memory_space<vmem>>
      %dma_start3A_917 = tpu.memref_squeeze %dma_start3A_916 : memref<1x128xi32, #tpu.memory_space<vmem>> -> memref<128xi32, #tpu.memory_space<vmem>>
      %dma_start3A_918 = arith.constant 0 : i32
      %dma_start3A_919 = arith.constant 0 : i32
      %dma_start3A_920 = tpu.memref_slice %arg4[%dma_start3A_918, %dma_start3A_919] : memref<1000000x64xf32, #tpu.memory_space<hbm>> -> memref<1000000x64xf32, #tpu.memory_space<hbm>>
      tpu.enqueue_indirect_dma source(%dma_start3A_920 : memref<1000000x64xf32, #tpu.memory_space<hbm>>) target(%dma_start3A_914 : memref<128x64xf32, #tpu.memory_space<vmem>>) offsets(%dma_start3A_917 : memref<128xi32, #tpu.memory_space<vmem>>) semaphore(%arg11 : memref<!tpu.dma_semaphore, #tpu.memory_space<semaphore_mem>>) {add = true}
      %dma_wait3A_921 = arith.constant 0 : i32
      %dma_wait3A_922 = arith.constant 0 : i32
      %dma_wait3A_923 = arith.constant 0 : i32
      %dma_wait3A_924 = arith.constant 0 : i32
      %dma_wait3A_925 = tpu.memref_slice %arg10[%dma_wait3A_922, %dma_wait3A_923, %dma_wait3A_924] : memref<4x128x64xf32, #tpu.memory_space<vmem>> -> memref<1x128x64xf32, #tpu.memory_space<vmem>>
      %dma_wait3A_926 = tpu.memref_squeeze %dma_wait3A_925 : memref<1x128x64xf32, #tpu.memory_space<vmem>> -> memref<128x64xf32, #tpu.memory_space<vmem>>
      %dma_wait3A_927 = arith.constant 0 : i32
      %dma_wait3A_928 = tpu.memref_slice %arg7[%dma_wait3A_921, %dma_wait3A_927] : memref<4x128xi32, #tpu.memory_space<vmem>> -> memref<1x128xi32, #tpu.memory_space<vmem>>
      %dma_wait3A_929 = tpu.memref_squeeze %dma_wait3A_928 : memref<1x128xi32, #tpu.memory_space<vmem>> -> memref<128xi32, #tpu.memory_space<vmem>>
      %dma_wait3A_930 = arith.constant 0 : i32
      %dma_wait3A_931 = arith.constant 0 : i32
      %dma_wait3A_932 = tpu.memref_slice %arg4[%dma_wait3A_930, %dma_wait3A_931] : memref<1000000x64xf32, #tpu.memory_space<hbm>> -> memref<1000000x64xf32, #tpu.memory_space<hbm>>
      tpu.wait_indirect_dma semaphore(%arg11 : memref<!tpu.dma_semaphore, #tpu.memory_space<semaphore_mem>>) src(%dma_wait3A_932 : memref<1000000x64xf32, #tpu.memory_space<hbm>>) dst(%dma_wait3A_926 : memref<128x64xf32, #tpu.memory_space<vmem>>)
      %dma_wait3A_933 = arith.constant 1 : i32
      %dma_wait3A_934 = arith.constant 1 : i32
      %dma_wait3A_935 = arith.constant 0 : i32
      %dma_wait3A_936 = arith.constant 0 : i32
      %dma_wait3A_937 = tpu.memref_slice %arg10[%dma_wait3A_934, %dma_wait3A_935, %dma_wait3A_936] : memref<4x128x64xf32, #tpu.memory_space<vmem>> -> memref<1x128x64xf32, #tpu.memory_space<vmem>>
      %dma_wait3A_938 = tpu.memref_squeeze %dma_wait3A_937 : memref<1x128x64xf32, #tpu.memory_space<vmem>> -> memref<128x64xf32, #tpu.memory_space<vmem>>
      %dma_wait3A_939 = arith.constant 0 : i32
      %dma_wait3A_940 = tpu.memref_slice %arg7[%dma_wait3A_933, %dma_wait3A_939] : memref<4x128xi32, #tpu.memory_space<vmem>> -> memref<1x128xi32, #tpu.memory_space<vmem>>
      %dma_wait3A_941 = tpu.memref_squeeze %dma_wait3A_940 : memref<1x128xi32, #tpu.memory_space<vmem>> -> memref<128xi32, #tpu.memory_space<vmem>>
      %dma_wait3A_942 = arith.constant 0 : i32
      %dma_wait3A_943 = arith.constant 0 : i32
      %dma_wait3A_944 = tpu.memref_slice %arg4[%dma_wait3A_942, %dma_wait3A_943] : memref<1000000x64xf32, #tpu.memory_space<hbm>> -> memref<1000000x64xf32, #tpu.memory_space<hbm>>
      tpu.wait_indirect_dma semaphore(%arg11 : memref<!tpu.dma_semaphore, #tpu.memory_space<semaphore_mem>>) src(%dma_wait3A_944 : memref<1000000x64xf32, #tpu.memory_space<hbm>>) dst(%dma_wait3A_938 : memref<128x64xf32, #tpu.memory_space<vmem>>)
      %dma_wait3A_945 = arith.constant 2 : i32
      %dma_wait3A_946 = arith.constant 2 : i32
      %dma_wait3A_947 = arith.constant 0 : i32
      %dma_wait3A_948 = arith.constant 0 : i32
      %dma_wait3A_949 = tpu.memref_slice %arg10[%dma_wait3A_946, %dma_wait3A_947, %dma_wait3A_948] : memref<4x128x64xf32, #tpu.memory_space<vmem>> -> memref<1x128x64xf32, #tpu.memory_space<vmem>>
      %dma_wait3A_950 = tpu.memref_squeeze %dma_wait3A_949 : memref<1x128x64xf32, #tpu.memory_space<vmem>> -> memref<128x64xf32, #tpu.memory_space<vmem>>
      %dma_wait3A_951 = arith.constant 0 : i32
      %dma_wait3A_952 = tpu.memref_slice %arg7[%dma_wait3A_945, %dma_wait3A_951] : memref<4x128xi32, #tpu.memory_space<vmem>> -> memref<1x128xi32, #tpu.memory_space<vmem>>
      %dma_wait3A_953 = tpu.memref_squeeze %dma_wait3A_952 : memref<1x128xi32, #tpu.memory_space<vmem>> -> memref<128xi32, #tpu.memory_space<vmem>>
      %dma_wait3A_954 = arith.constant 0 : i32
      %dma_wait3A_955 = arith.constant 0 : i32
      %dma_wait3A_956 = tpu.memref_slice %arg4[%dma_wait3A_954, %dma_wait3A_955] : memref<1000000x64xf32, #tpu.memory_space<hbm>> -> memref<1000000x64xf32, #tpu.memory_space<hbm>>
      tpu.wait_indirect_dma semaphore(%arg11 : memref<!tpu.dma_semaphore, #tpu.memory_space<semaphore_mem>>) src(%dma_wait3A_956 : memref<1000000x64xf32, #tpu.memory_space<hbm>>) dst(%dma_wait3A_950 : memref<128x64xf32, #tpu.memory_space<vmem>>)
      %dma_wait3A_957 = arith.constant 3 : i32
      %dma_wait3A_958 = arith.constant 3 : i32
      %dma_wait3A_959 = arith.constant 0 : i32
      %dma_wait3A_960 = arith.constant 0 : i32
      %dma_wait3A_961 = tpu.memref_slice %arg10[%dma_wait3A_958, %dma_wait3A_959, %dma_wait3A_960] : memref<4x128x64xf32, #tpu.memory_space<vmem>> -> memref<1x128x64xf32, #tpu.memory_space<vmem>>
      %dma_wait3A_962 = tpu.memref_squeeze %dma_wait3A_961 : memref<1x128x64xf32, #tpu.memory_space<vmem>> -> memref<128x64xf32, #tpu.memory_space<vmem>>
      %dma_wait3A_963 = arith.constant 0 : i32
      %dma_wait3A_964 = tpu.memref_slice %arg7[%dma_wait3A_957, %dma_wait3A_963] : memref<4x128xi32, #tpu.memory_space<vmem>> -> memref<1x128xi32, #tpu.memory_space<vmem>>
      %dma_wait3A_965 = tpu.memref_squeeze %dma_wait3A_964 : memref<1x128xi32, #tpu.memory_space<vmem>> -> memref<128xi32, #tpu.memory_space<vmem>>
      %dma_wait3A_966 = arith.constant 0 : i32
      %dma_wait3A_967 = arith.constant 0 : i32
      %dma_wait3A_968 = tpu.memref_slice %arg4[%dma_wait3A_966, %dma_wait3A_967] : memref<1000000x64xf32, #tpu.memory_space<hbm>> -> memref<1000000x64xf32, #tpu.memory_space<hbm>>
      tpu.wait_indirect_dma semaphore(%arg11 : memref<!tpu.dma_semaphore, #tpu.memory_space<semaphore_mem>>) src(%dma_wait3A_968 : memref<1000000x64xf32, #tpu.memory_space<hbm>>) dst(%dma_wait3A_962 : memref<128x64xf32, #tpu.memory_space<vmem>>)
      %mul3A_969 = arith.constant 25600 : i32
      %mul3A_970 = arith.muli %add3A, %mul3A_969 : i32
      %mul3A_971 = arith.constant 512 : i32
      %mul3A_972 = arith.muli %scan3A_6, %mul3A_971 : i32
      %add3A_973 = arith.addi %mul3A_970, %mul3A_972 : i32
      %add3A_974 = arith.constant 0 : i32
      %add3A_975 = arith.addi %add3A_973, %add3A_974 : i32
      %run_scoped3A = arith.constant 0 : i32
      "tpu.region"() ({
        %run_scoped3A_985 = tpu.sem_alloc : memref<!tpu.dma_semaphore, #tpu.memory_space<semaphore_mem>>
        %dma_start3A_986 = arith.constant 0 : i32
        %dma_start3A_987 = arith.constant 0 : i32
        %dma_start3A_988 = tpu.memref_slice %arg10[%run_scoped3A, %dma_start3A_986, %dma_start3A_987] : memref<4x128x64xf32, #tpu.memory_space<vmem>> -> memref<1x128x64xf32, #tpu.memory_space<vmem>>
        %dma_start3A_989 = tpu.memref_squeeze %dma_start3A_988 : memref<1x128x64xf32, #tpu.memory_space<vmem>> -> memref<128x64xf32, #tpu.memory_space<vmem>>
        %dma_start3A_990 = arith.constant 0 : i32
        %dma_start3A_991 = tpu.memref_slice %arg6[%add3A_975, %dma_start3A_990] : memref<819200x64xf32, #tpu.memory_space<hbm>> -> memref<128x64xf32, #tpu.memory_space<hbm>>
        %dma_start3A_992 = arith.constant 0 : i32
        %dma_start3A_993 = tpu.memref_slice %arg6[%add3A_975, %dma_start3A_992] : memref<819200x64xf32, #tpu.memory_space<hbm>> -> memref<128x64xf32, #tpu.memory_space<hbm>>
        %dma_start3A_994 = arith.constant 0 : i32
        %dma_start3A_995 = arith.constant 0 : i32
        %dma_start3A_996 = tpu.memref_slice %arg10[%run_scoped3A, %dma_start3A_994, %dma_start3A_995] : memref<4x128x64xf32, #tpu.memory_space<vmem>> -> memref<1x128x64xf32, #tpu.memory_space<vmem>>
        %dma_start3A_997 = tpu.memref_squeeze %dma_start3A_996 : memref<1x128x64xf32, #tpu.memory_space<vmem>> -> memref<128x64xf32, #tpu.memory_space<vmem>>
        tpu.enqueue_dma source(%dma_start3A_997 : memref<128x64xf32, #tpu.memory_space<vmem>>) target(%dma_start3A_993 : memref<128x64xf32, #tpu.memory_space<hbm>>) target_semaphore(%run_scoped3A_985 : memref<!tpu.dma_semaphore, #tpu.memory_space<semaphore_mem>>)
        %dma_wait3A_998 = arith.constant 0 : i32
        %dma_wait3A_999 = arith.constant 0 : i32
        %dma_wait3A_1000 = tpu.memref_slice %arg10[%run_scoped3A, %dma_wait3A_998, %dma_wait3A_999] : memref<4x128x64xf32, #tpu.memory_space<vmem>> -> memref<1x128x64xf32, #tpu.memory_space<vmem>>
        %dma_wait3A_1001 = tpu.memref_squeeze %dma_wait3A_1000 : memref<1x128x64xf32, #tpu.memory_space<vmem>> -> memref<128x64xf32, #tpu.memory_space<vmem>>
        %dma_wait3A_1002 = arith.constant 0 : i32
        %dma_wait3A_1003 = tpu.memref_slice %arg6[%add3A_975, %dma_wait3A_1002] : memref<819200x64xf32, #tpu.memory_space<hbm>> -> memref<128x64xf32, #tpu.memory_space<hbm>>
        %dma_wait3A_1004 = arith.constant 0 : i32
        %dma_wait3A_1005 = tpu.memref_slice %arg6[%add3A_975, %dma_wait3A_1004] : memref<819200x64xf32, #tpu.memory_space<hbm>> -> memref<128x64xf32, #tpu.memory_space<hbm>>
        %dma_wait3A_1006 = arith.constant 0 : i32
        %dma_wait3A_1007 = arith.constant 0 : i32
        %dma_wait3A_1008 = tpu.memref_slice %arg10[%run_scoped3A, %dma_wait3A_1006, %dma_wait3A_1007] : memref<4x128x64xf32, #tpu.memory_space<vmem>> -> memref<1x128x64xf32, #tpu.memory_space<vmem>>
        %dma_wait3A_1009 = tpu.memref_squeeze %dma_wait3A_1008 : memref<1x128x64xf32, #tpu.memory_space<vmem>> -> memref<128x64xf32, #tpu.memory_space<vmem>>
        tpu.wait_dma2 semaphore(%run_scoped3A_985 : memref<!tpu.dma_semaphore, #tpu.memory_space<semaphore_mem>>) src(%dma_wait3A_1009 : memref<128x64xf32, #tpu.memory_space<vmem>>) dst(%dma_wait3A_1005 : memref<128x64xf32, #tpu.memory_space<hbm>>)
        tpu.yield
      }) : () -> ()
      %add3A_976 = arith.constant 128 : i32
      %add3A_977 = arith.addi %add3A_973, %add3A_976 : i32
      %run_scoped3A_978 = arith.constant 1 : i32
      "tpu.region"() ({
        %run_scoped3A_985 = tpu.sem_alloc : memref<!tpu.dma_semaphore, #tpu.memory_space<semaphore_mem>>
        %dma_start3A_986 = arith.constant 0 : i32
        %dma_start3A_987 = arith.constant 0 : i32
        %dma_start3A_988 = tpu.memref_slice %arg10[%run_scoped3A_978, %dma_start3A_986, %dma_start3A_987] : memref<4x128x64xf32, #tpu.memory_space<vmem>> -> memref<1x128x64xf32, #tpu.memory_space<vmem>>
        %dma_start3A_989 = tpu.memref_squeeze %dma_start3A_988 : memref<1x128x64xf32, #tpu.memory_space<vmem>> -> memref<128x64xf32, #tpu.memory_space<vmem>>
        %dma_start3A_990 = arith.constant 0 : i32
        %dma_start3A_991 = tpu.memref_slice %arg6[%add3A_977, %dma_start3A_990] : memref<819200x64xf32, #tpu.memory_space<hbm>> -> memref<128x64xf32, #tpu.memory_space<hbm>>
        %dma_start3A_992 = arith.constant 0 : i32
        %dma_start3A_993 = tpu.memref_slice %arg6[%add3A_977, %dma_start3A_992] : memref<819200x64xf32, #tpu.memory_space<hbm>> -> memref<128x64xf32, #tpu.memory_space<hbm>>
        %dma_start3A_994 = arith.constant 0 : i32
        %dma_start3A_995 = arith.constant 0 : i32
        %dma_start3A_996 = tpu.memref_slice %arg10[%run_scoped3A_978, %dma_start3A_994, %dma_start3A_995] : memref<4x128x64xf32, #tpu.memory_space<vmem>> -> memref<1x128x64xf32, #tpu.memory_space<vmem>>
        %dma_start3A_997 = tpu.memref_squeeze %dma_start3A_996 : memref<1x128x64xf32, #tpu.memory_space<vmem>> -> memref<128x64xf32, #tpu.memory_space<vmem>>
        tpu.enqueue_dma source(%dma_start3A_997 : memref<128x64xf32, #tpu.memory_space<vmem>>) target(%dma_start3A_993 : memref<128x64xf32, #tpu.memory_space<hbm>>) target_semaphore(%run_scoped3A_985 : memref<!tpu.dma_semaphore, #tpu.memory_space<semaphore_mem>>)
        %dma_wait3A_998 = arith.constant 0 : i32
        %dma_wait3A_999 = arith.constant 0 : i32
        %dma_wait3A_1000 = tpu.memref_slice %arg10[%run_scoped3A_978, %dma_wait3A_998, %dma_wait3A_999] : memref<4x128x64xf32, #tpu.memory_space<vmem>> -> memref<1x128x64xf32, #tpu.memory_space<vmem>>
        %dma_wait3A_1001 = tpu.memref_squeeze %dma_wait3A_1000 : memref<1x128x64xf32, #tpu.memory_space<vmem>> -> memref<128x64xf32, #tpu.memory_space<vmem>>
        %dma_wait3A_1002 = arith.constant 0 : i32
        %dma_wait3A_1003 = tpu.memref_slice %arg6[%add3A_977, %dma_wait3A_1002] : memref<819200x64xf32, #tpu.memory_space<hbm>> -> memref<128x64xf32, #tpu.memory_space<hbm>>
        %dma_wait3A_1004 = arith.constant 0 : i32
        %dma_wait3A_1005 = tpu.memref_slice %arg6[%add3A_977, %dma_wait3A_1004] : memref<819200x64xf32, #tpu.memory_space<hbm>> -> memref<128x64xf32, #tpu.memory_space<hbm>>
        %dma_wait3A_1006 = arith.constant 0 : i32
        %dma_wait3A_1007 = arith.constant 0 : i32
        %dma_wait3A_1008 = tpu.memref_slice %arg10[%run_scoped3A_978, %dma_wait3A_1006, %dma_wait3A_1007] : memref<4x128x64xf32, #tpu.memory_space<vmem>> -> memref<1x128x64xf32, #tpu.memory_space<vmem>>
        %dma_wait3A_1009 = tpu.memref_squeeze %dma_wait3A_1008 : memref<1x128x64xf32, #tpu.memory_space<vmem>> -> memref<128x64xf32, #tpu.memory_space<vmem>>
        tpu.wait_dma2 semaphore(%run_scoped3A_985 : memref<!tpu.dma_semaphore, #tpu.memory_space<semaphore_mem>>) src(%dma_wait3A_1009 : memref<128x64xf32, #tpu.memory_space<vmem>>) dst(%dma_wait3A_1005 : memref<128x64xf32, #tpu.memory_space<hbm>>)
        tpu.yield
      }) : () -> ()
      %add3A_979 = arith.constant 256 : i32
      %add3A_980 = arith.addi %add3A_973, %add3A_979 : i32
      %run_scoped3A_981 = arith.constant 2 : i32
      "tpu.region"() ({
        %run_scoped3A_985 = tpu.sem_alloc : memref<!tpu.dma_semaphore, #tpu.memory_space<semaphore_mem>>
        %dma_start3A_986 = arith.constant 0 : i32
        %dma_start3A_987 = arith.constant 0 : i32
        %dma_start3A_988 = tpu.memref_slice %arg10[%run_scoped3A_981, %dma_start3A_986, %dma_start3A_987] : memref<4x128x64xf32, #tpu.memory_space<vmem>> -> memref<1x128x64xf32, #tpu.memory_space<vmem>>
        %dma_start3A_989 = tpu.memref_squeeze %dma_start3A_988 : memref<1x128x64xf32, #tpu.memory_space<vmem>> -> memref<128x64xf32, #tpu.memory_space<vmem>>
        %dma_start3A_990 = arith.constant 0 : i32
        %dma_start3A_991 = tpu.memref_slice %arg6[%add3A_980, %dma_start3A_990] : memref<819200x64xf32, #tpu.memory_space<hbm>> -> memref<128x64xf32, #tpu.memory_space<hbm>>
        %dma_start3A_992 = arith.constant 0 : i32
        %dma_start3A_993 = tpu.memref_slice %arg6[%add3A_980, %dma_start3A_992] : memref<819200x64xf32, #tpu.memory_space<hbm>> -> memref<128x64xf32, #tpu.memory_space<hbm>>
        %dma_start3A_994 = arith.constant 0 : i32
        %dma_start3A_995 = arith.constant 0 : i32
        %dma_start3A_996 = tpu.memref_slice %arg10[%run_scoped3A_981, %dma_start3A_994, %dma_start3A_995] : memref<4x128x64xf32, #tpu.memory_space<vmem>> -> memref<1x128x64xf32, #tpu.memory_space<vmem>>
        %dma_start3A_997 = tpu.memref_squeeze %dma_start3A_996 : memref<1x128x64xf32, #tpu.memory_space<vmem>> -> memref<128x64xf32, #tpu.memory_space<vmem>>
        tpu.enqueue_dma source(%dma_start3A_997 : memref<128x64xf32, #tpu.memory_space<vmem>>) target(%dma_start3A_993 : memref<128x64xf32, #tpu.memory_space<hbm>>) target_semaphore(%run_scoped3A_985 : memref<!tpu.dma_semaphore, #tpu.memory_space<semaphore_mem>>)
        %dma_wait3A_998 = arith.constant 0 : i32
        %dma_wait3A_999 = arith.constant 0 : i32
        %dma_wait3A_1000 = tpu.memref_slice %arg10[%run_scoped3A_981, %dma_wait3A_998, %dma_wait3A_999] : memref<4x128x64xf32, #tpu.memory_space<vmem>> -> memref<1x128x64xf32, #tpu.memory_space<vmem>>
        %dma_wait3A_1001 = tpu.memref_squeeze %dma_wait3A_1000 : memref<1x128x64xf32, #tpu.memory_space<vmem>> -> memref<128x64xf32, #tpu.memory_space<vmem>>
        %dma_wait3A_1002 = arith.constant 0 : i32
        %dma_wait3A_1003 = tpu.memref_slice %arg6[%add3A_980, %dma_wait3A_1002] : memref<819200x64xf32, #tpu.memory_space<hbm>> -> memref<128x64xf32, #tpu.memory_space<hbm>>
        %dma_wait3A_1004 = arith.constant 0 : i32
        %dma_wait3A_1005 = tpu.memref_slice %arg6[%add3A_980, %dma_wait3A_1004] : memref<819200x64xf32, #tpu.memory_space<hbm>> -> memref<128x64xf32, #tpu.memory_space<hbm>>
        %dma_wait3A_1006 = arith.constant 0 : i32
        %dma_wait3A_1007 = arith.constant 0 : i32
        %dma_wait3A_1008 = tpu.memref_slice %arg10[%run_scoped3A_981, %dma_wait3A_1006, %dma_wait3A_1007] : memref<4x128x64xf32, #tpu.memory_space<vmem>> -> memref<1x128x64xf32, #tpu.memory_space<vmem>>
        %dma_wait3A_1009 = tpu.memref_squeeze %dma_wait3A_1008 : memref<1x128x64xf32, #tpu.memory_space<vmem>> -> memref<128x64xf32, #tpu.memory_space<vmem>>
        tpu.wait_dma2 semaphore(%run_scoped3A_985 : memref<!tpu.dma_semaphore, #tpu.memory_space<semaphore_mem>>) src(%dma_wait3A_1009 : memref<128x64xf32, #tpu.memory_space<vmem>>) dst(%dma_wait3A_1005 : memref<128x64xf32, #tpu.memory_space<hbm>>)
        tpu.yield
      }) : () -> ()
      %add3A_982 = arith.constant 384 : i32
      %add3A_983 = arith.addi %add3A_973, %add3A_982 : i32
      %run_scoped3A_984 = arith.constant 3 : i32
      "tpu.region"() ({
        %run_scoped3A_985 = tpu.sem_alloc : memref<!tpu.dma_semaphore, #tpu.memory_space<semaphore_mem>>
        %dma_start3A_986 = arith.constant 0 : i32
        %dma_start3A_987 = arith.constant 0 : i32
        %dma_start3A_988 = tpu.memref_slice %arg10[%run_scoped3A_984, %dma_start3A_986, %dma_start3A_987] : memref<4x128x64xf32, #tpu.memory_space<vmem>> -> memref<1x128x64xf32, #tpu.memory_space<vmem>>
        %dma_start3A_989 = tpu.memref_squeeze %dma_start3A_988 : memref<1x128x64xf32, #tpu.memory_space<vmem>> -> memref<128x64xf32, #tpu.memory_space<vmem>>
        %dma_start3A_990 = arith.constant 0 : i32
        %dma_start3A_991 = tpu.memref_slice %arg6[%add3A_983, %dma_start3A_990] : memref<819200x64xf32, #tpu.memory_space<hbm>> -> memref<128x64xf32, #tpu.memory_space<hbm>>
        %dma_start3A_992 = arith.constant 0 : i32
        %dma_start3A_993 = tpu.memref_slice %arg6[%add3A_983, %dma_start3A_992] : memref<819200x64xf32, #tpu.memory_space<hbm>> -> memref<128x64xf32, #tpu.memory_space<hbm>>
        %dma_start3A_994 = arith.constant 0 : i32
        %dma_start3A_995 = arith.constant 0 : i32
        %dma_start3A_996 = tpu.memref_slice %arg10[%run_scoped3A_984, %dma_start3A_994, %dma_start3A_995] : memref<4x128x64xf32, #tpu.memory_space<vmem>> -> memref<1x128x64xf32, #tpu.memory_space<vmem>>
        %dma_start3A_997 = tpu.memref_squeeze %dma_start3A_996 : memref<1x128x64xf32, #tpu.memory_space<vmem>> -> memref<128x64xf32, #tpu.memory_space<vmem>>
        tpu.enqueue_dma source(%dma_start3A_997 : memref<128x64xf32, #tpu.memory_space<vmem>>) target(%dma_start3A_993 : memref<128x64xf32, #tpu.memory_space<hbm>>) target_semaphore(%run_scoped3A_985 : memref<!tpu.dma_semaphore, #tpu.memory_space<semaphore_mem>>)
        %dma_wait3A_998 = arith.constant 0 : i32
        %dma_wait3A_999 = arith.constant 0 : i32
        %dma_wait3A_1000 = tpu.memref_slice %arg10[%run_scoped3A_984, %dma_wait3A_998, %dma_wait3A_999] : memref<4x128x64xf32, #tpu.memory_space<vmem>> -> memref<1x128x64xf32, #tpu.memory_space<vmem>>
        %dma_wait3A_1001 = tpu.memref_squeeze %dma_wait3A_1000 : memref<1x128x64xf32, #tpu.memory_space<vmem>> -> memref<128x64xf32, #tpu.memory_space<vmem>>
        %dma_wait3A_1002 = arith.constant 0 : i32
        %dma_wait3A_1003 = tpu.memref_slice %arg6[%add3A_983, %dma_wait3A_1002] : memref<819200x64xf32, #tpu.memory_space<hbm>> -> memref<128x64xf32, #tpu.memory_space<hbm>>
        %dma_wait3A_1004 = arith.constant 0 : i32
        %dma_wait3A_1005 = tpu.memref_slice %arg6[%add3A_983, %dma_wait3A_1004] : memref<819200x64xf32, #tpu.memory_space<hbm>> -> memref<128x64xf32, #tpu.memory_space<hbm>>
        %dma_wait3A_1006 = arith.constant 0 : i32
        %dma_wait3A_1007 = arith.constant 0 : i32
        %dma_wait3A_1008 = tpu.memref_slice %arg10[%run_scoped3A_984, %dma_wait3A_1006, %dma_wait3A_1007] : memref<4x128x64xf32, #tpu.memory_space<vmem>> -> memref<1x128x64xf32, #tpu.memory_space<vmem>>
        %dma_wait3A_1009 = tpu.memref_squeeze %dma_wait3A_1008 : memref<1x128x64xf32, #tpu.memory_space<vmem>> -> memref<128x64xf32, #tpu.memory_space<vmem>>
        tpu.wait_dma2 semaphore(%run_scoped3A_985 : memref<!tpu.dma_semaphore, #tpu.memory_space<semaphore_mem>>) src(%dma_wait3A_1009 : memref<128x64xf32, #tpu.memory_space<vmem>>) dst(%dma_wait3A_1005 : memref<128x64xf32, #tpu.memory_space<hbm>>)
        tpu.yield
      }) : () -> ()
    }
    %scan3A_5 = arith.constant 50 : i32
    return
  }
}

module attributes {stable_mosaic.version = 14 : i64} {
  func.func @body(%arg0: memref<3x1x64xf32, #tpu.memory_space<vmem>>, %arg1: memref<1x200x64xf32, #tpu.memory_space<vmem>>, %arg2: memref<3x200x64xf32, #tpu.memory_space<vmem>>) attributes {dimension_semantics = [], scalar_prefetch = 0 : i64, scratch_operands = 0 : i64, tpu.core_type = #tpu.core_type<tc>} {
    %get3A = arith.constant 0 : index
    %get3A_0 = arith.constant 0 : index
    %get3A_1 = arith.constant 0 : index
    %get3A_2 = vector.load %arg0[%get3A, %get3A_0, %get3A_1] : memref<3x1x64xf32, #tpu.memory_space<vmem>>, vector<3x1x64xf32>
    %get3A_3 = arith.constant 0 : index
    %get3A_4 = arith.constant 0 : index
    %get3A_5 = arith.constant 0 : index
    %get3A_6 = vector.load %arg1[%get3A_3, %get3A_4, %get3A_5] : memref<1x200x64xf32, #tpu.memory_space<vmem>>, vector<1x200x64xf32>
    %add3A = vector.broadcast %get3A_2 : vector<3x1x64xf32> to vector<3x200x64xf32>
    %add3A_7 = vector.broadcast %get3A_6 : vector<1x200x64xf32> to vector<3x200x64xf32>
    %add3A_8 = arith.addf %add3A, %add3A_7 : vector<3x200x64xf32>
    %swap3A = arith.constant 0 : index
    %swap3A_9 = arith.constant 0 : index
    %swap3A_10 = arith.constant 0 : index
    %swap3A_11 = vector.load %arg2[%swap3A, %swap3A_9, %swap3A_10] : memref<3x200x64xf32, #tpu.memory_space<vmem>>, vector<3x200x64xf32>
    tpu.vector_store %arg2[%swap3A, %swap3A_9, %swap3A_10], %add3A_8 {strides = array<i32>} : memref<3x200x64xf32, #tpu.memory_space<vmem>>, vector<3x200x64xf32>,
    return
  }
}

</mosaic_0001>

<sc_bundles>
// kernel: kernel.4.cloned.1.call-start
scs
__scs_entry_jumppad:
0x0: {  	(pc) =	sbr.rel $0x88, $3  }
0x1: {  	(tag) =	ssettag $0x0;
	lr =	simm.s32 $0x1  }
0x2: {  	[smem:$0x3F9D] =	sst lr;
	_ =	strace $0xD0000000  }
0x3: {  	_ = 	snop  }
0x4: {  	_ = 	snop  }
0x5: {  	_ = 	snop  }
0x6: {  	_ = 	snop  }
0x7: {  	_ = 	snop  }
__scs_overlays_trampoline_lowered:
0x8: {  	[smem:$0x3FAC] =	sst s0  }
0x9: {  	[smem:$0x3FAD] =	sst s1  }
0xa: {  	[smem:$0x3FAE] =	sst s2  }
0xb: {  	[smem:$0x3FAF] =	sst s3  }
0xc: {  	[smem:$0x3FB0] =	sst s4  }
0xd: {  	[smem:$0x3FB1] =	sst s5  }
0xe: {  	[smem:$0x3FB2] =	sst s6  }
0xf: {  	[smem:$0x3FB3] =	sst s7  }
0x10: {  	[smem:$0x3FB4] =	sst s8  }
0x11: {  	[smem:$0x3FB5] =	sst s9;
	s0 =	simm.s32 @!p0 $0x0  }
0x12: {  	s1 =	sld [smem:$0x3F9B];
	s0 =	simm.s32 @p0 $0x1  }
0x13: {  	[smem:$0x3FB6] =	sst s0;
	s0 =	simm.s32 @!p1 $0x0  }
0x14: {  	s2 =	sld [smem:$0x3F9A];
	s0 =	simm.s32 @p1 $0x1  }
0x15: {  	[smem:$0x3FB7] =	sst s0;
	s0 =	simm.s32 @!p2 $0x0  }
0x16: {  	s3 =	sld [smem:$0x3FDB];
	s0 =	simm.s32 @p2 $0x1  }
0x17: {  	s4 =	simm.s32 $0x1BF5;
	[smem:$0x3FB9] =	sst s0  }
0x18: {  	s0 =	sld [smem:$0x3F9C];
	_ =	swait.ge [sflag:s4], $0x0  }
0x19: {  	s7 =	sld [smem:$0x3F9D]  }
0x1a: {  	s8 =	sadd.s32 $0xFFFFE003, lr  }
0x1b: {  	s9 =	sadd.s32 $0xFFFFFEF7, lr;
	s5 =	simm.s32 $0xFFFFFFFF;
	p2 =	slt.u32 s8, $0xFFFFF086  }
0x1c: {  	p1 =	slt.u32 s9, $0xF7A;
	s5 =	simm.s32 @!p2 $0x0  }
0x1d: {  	s5 =	simm.s32 @p1 $0x1;
	p0 =	seq.s32 s7, s2  }
0x1e: {  	s7 =	smul.u32 @!p0 $0xF7A, s2;
	p2 =	seq.s32 @!p0 s5, $0x0  }
0x1f: {  	s9 =	smul.u32 $0xF7A, s1;
	s8 =	simm.s32 @!p0 $0x1BF5;
	p2 =	por !p2, p0  }
0x20: {  	[sflag:s8] =	ssyncset.s32 @!p0 $0xFFFFF086;
	s6 =	sadd.s32 @!p0 s3, s7;
	s7 =	simm.s32 @!p0 $0x108  }
0x21: {  	s3 =	sadd.s32 s3, s9;
	s6 =	sadd.s32 @!p0 $0x88, s6;
	s7 =	simm.s32 @p2 $0x1082  }
0x22: {  	[simem:s7], [sflag:s8] =	dma.local @!p0 [hbm:s6], $0xF7A  }
0x23: {  	s9 =	sor.u32 $0xD0000000, s2;
	s6 =	simm.s32 $0x108;
	_ =	swait.ge @!p0 [sflag:s8], $0x0  }
0x24: {  	s3 =	sadd.s32 $0x88, s3;
	s6 =	simm.s32 @!p1 $0x1082;
	[sflag:s4] =	ssyncset.s32 $0xFFFFF086  }
0x25: {  	[simem:s6], [sflag:s4] =	dma.local [hbm:s3], $0xF7A  }
0x26: {  	[smem:$0x3F9D] =	sst s1;
	(tag) =	ssettag s2;
	_ =	strace s9  }
0x27: {  	s1 =	sld [smem:$0x3FAD]  }
0x28: {  	s2 =	sld [smem:$0x3FAE]  }
0x29: {  	s4 =	sld [smem:$0x3FB0]  }
0x2a: {  	p0 =	seq.s32 s5, $0x0;
	s5 =	sld [smem:$0x3FB1]  }
0x2b: {  	s6 =	sld [smem:$0x3FB2]  }
0x2c: {  	s7 =	sld [smem:$0x3FB3]  }
0x2d: {  	s3 =	simm.s32 $0x108;
	s8 =	sld [smem:$0x3FB4]  }
0x2e: {  	s3 =	simm.s32 @!p0 $0x1082;
	s9 =	sld [smem:$0x3FB5]  }
0x2f: {  	lr =	sadd.s32 s0, s3;
	s0 =	sld [smem:$0x3FAC]  }
0x30: {  	s3 =	sld [smem:$0x3FAF]  }
0x31: {  	[smem:$0x3FB8] =	sst s10  }
0x32: {  	s10 =	sld [smem:$0x3FB6];
	_ =	sdelay $0x3  }
0x33: {  	p0 =	seq.s32 s10, $0x1;
	s10 =	sld [smem:$0x3FB8];
	_ =	sdelay $0x3  }
0x34: {  	[smem:$0x3FB8] =	sst s10  }
0x35: {  	s10 =	sld [smem:$0x3FB7];
	_ =	sdelay $0x3  }
0x36: {  	p1 =	seq.s32 s10, $0x1;
	s10 =	sld [smem:$0x3FB8];
	_ =	sdelay $0x3  }
0x37: {  	[smem:$0x3FB8] =	sst s10  }
0x38: {  	s10 =	sld [smem:$0x3FB9]  }
0x39: {  	_ = 	snop;
	(pc) =	sbr.ind lr, $3  }
0x3a: {  	_ = 	snop  }
0x3b: {  	_ = 	snop  }
0x3c: {  	p2 =	seq.s32 s10, $0x1;
	s10 =	sld [smem:$0x3FB8]  }
0x3d: {  	_ =	shalt  }
0x3e: {  	_ =	shalt  }
0x3f: {  	_ =	shalt  }
0x40: {  	_ =	shalt  }
0x41: {  	_ =	shalt  }
0x42: {  	_ =	shalt  }
0x43: {  	_ =	shalt  }
0x44: {  	_ =	shalt  }
0x45: {  	_ =	shalt  }
0x46: {  	_ =	shalt  }
0x47: {  	_ =	shalt  }
0x48: {  	_ =	shalt  }
0x49: {  	_ =	shalt  }
0x4a: {  	_ =	shalt  }
0x4b: {  	_ =	shalt  }
0x4c: {  	_ =	shalt  }
0x4d: {  	_ =	shalt  }
0x4e: {  	_ =	shalt  }
0x4f: {  	_ =	shalt  }
0x50: {  	_ =	shalt  }
0x51: {  	_ =	shalt  }
0x52: {  	_ =	shalt  }
0x53: {  	_ =	shalt  }
0x54: {  	_ =	shalt  }
0x55: {  	_ =	shalt  }
0x56: {  	_ =	shalt  }
0x57: {  	_ =	shalt  }
0x58: {  	_ =	shalt  }
0x59: {  	_ =	shalt  }
0x5a: {  	_ =	shalt  }
0x5b: {  	_ =	shalt  }
0x5c: {  	_ =	shalt  }
0x5d: {  	_ =	shalt  }
0x5e: {  	_ =	shalt  }
0x5f: {  	_ =	shalt  }
0x60: {  	_ =	shalt  }
0x61: {  	_ =	shalt  }
0x62: {  	_ =	shalt  }
0x63: {  	_ =	shalt  }
0x64: {  	_ =	shalt  }
0x65: {  	_ =	shalt  }
0x66: {  	_ =	shalt  }
0x67: {  	_ =	shalt  }
0x68: {  	_ =	shalt  }
0x69: {  	_ =	shalt  }
0x6a: {  	_ =	shalt  }
0x6b: {  	_ =	shalt  }
0x6c: {  	_ =	shalt  }
0x6d: {  	_ =	shalt  }
0x6e: {  	_ =	shalt  }
0x6f: {  	_ =	shalt  }
0x70: {  	_ =	shalt  }
0x71: {  	_ =	shalt  }
0x72: {  	_ =	shalt  }
0x73: {  	_ =	shalt  }
0x74: {  	_ =	shalt  }
0x75: {  	_ =	shalt  }
0x76: {  	_ =	shalt  }
0x77: {  	_ =	shalt  }
0x78: {  	_ =	shalt  }
0x79: {  	_ =	shalt  }
0x7a: {  	_ =	shalt  }
0x7b: {  	_ =	shalt  }
0x7c: {  	_ =	shalt  }
0x7d: {  	_ =	shalt  }
0x7e: {  	_ =	shalt  }
0x7f: {  	_ =	shalt  }
0x80: {  	_ =	shalt  }
0x81: {  	_ =	shalt  }
0x82: {  	_ =	shalt  }
0x83: {  	_ =	shalt  }
0x84: {  	_ =	shalt  }
0x85: {  	_ =	shalt  }
0x86: {  	_ =	shalt  }
0x87: {  	_ =	shalt  }
.Lfunc_end0:
.L_simem_size_0:
called_computation.1_lowered:
.L_overlay_start_0:
0x88: {  	s2 =	sld [smem:$0x3FD9]  }
0x89: {  	s3 =	sld [smem:$0x3FFE];
	_ =	sdelay $0x1  }
0x8a: {  	s1 =	srdreg.scid  }
0x8b: {  	s0 =	sand.u32 $0x1, s1  }
0x8c: {  	s17 =	sshll.u32 s0, $0xA;
	s2 =	sadd.s32 s3, s2  }
0x8d: {  	s2 =	sadd.s32 s2, s17  }
0x8e: {  	[smem:$0x3FC4] =	sst s2  }
0x8f: {  	_ = 	snop  }
0x90: {  	s2 =	sld [smem:$0x3FD0];
	(tm) =	ssettm $0x1  }
0x91: {  	s18 =	sld [smem:$0x3FFB];
	_ =	sdelay $0x3  }
0x92: {  	_ =	strace s18  }
0x93: {  	s3 =	sld [smem:$0x3FFC];
	_ =	sdelay $0x3  }
0x94: {  	_ =	strace s3  }
0x95: {  	s3 =	sld [smem:$0x3FFD];
	_ =	sdelay $0x3  }
0x96: {  	_ =	strace s3  }
0x97: {  	_ =	strace $0x8FFFFFFF  }
0x98: {  	s19 =	sld [smem:$0x3FDB];
	_ =	sdelay $0x1  }
0x99: {  	s4 =	simm.s32 $_scs_section_size  }
0x9a: {  	s5 =	simm.s32 $_size__tile_overlayer_lowered;
	s6 =	simm.s32 $_tile_overlayer_lowered  }
0x9b: {  	s22 =	simm.s32 $0x1BFF;
	s21 =	sshll.u32 s6, $0x1;
	s3 =	sadd.s32 s4, s19  }
0x9c: {  	s7 =	simm.s32 $0x0;
	s20 =	sshll.u32 s5, $0x1;
	s5 =	sadd.s32 s21, s3  }
0x9d: {  	[timem:s7], [sflag:s22] =	dma.local [hbm:s5], s20  }
0x9e: {  	_ =	swait.ge [sflag:s22], s20  }
0x9f: {  	s4 =	ssub.s32 $0x0, s20;
	[sflag:s22] =	ssyncset.done $0x0  }
0xa0: {  	[sflag:s22] =	ssyncadd.s32 s4;
	_ =	sdelay $0x1  }
0xa1: {  	s23 =	simm.s32 $0x1B8B  }
0xa2: {  	_ =	swait.ge [sflag:s23], $0x1  }
0xa3: {  	[sflag:s23] =	ssyncset.done $0x0  }
0xa4: {  	s25 =	simm.s32 $0x1B8E;
	s24 =	sld [smem:$0x3FFE];
	[sflag:s23] =	ssyncadd.s32 $0xFFFFFFFF  }
0xa5: {  	s26 =	simm.s32 $execute0_lowered;
	[smem:$0x3FD2] =	sst s25  }
0xa6: {  	s5 =	sshll.u32 s26, $0x1;
	_ =	strace $0x80000046;
	[dreg:$0x1] =	wrdreg $0xFFFFFFFF  }
0xa7: {  	s28 =	simm.s32 $_size_execute0_lowered;
	s3 =	sadd.s32 s3, s5;
	[dreg:$0x0] =	wrdreg $0x0  }
0xa8: {  	s5 =	sshll.u32 s28, $0x1;
	[dreg:$0x2] =	wrdreg s3  }
0xa9: {  	[dreg:$0x3] =	wrdreg s5  }
0xaa: {  	[dreg:$0x4] =	wrdreg $0xC0  }
0xab: {  	_ =	task [dreg:s7], $0x5FFFF  }
0xac: {  	[dreg:$0x1] =	wrdreg $0xFFFFFFFF  }
0xad: {  	[dreg:$0x0] =	wrdreg $0x60  }
0xae: {  	[dreg:$0x2] =	wrdreg s24  }
0xaf: {  	[dreg:$0x3] =	wrdreg s2  }
0xb0: {  	[dreg:$0x4] =	wrdreg $0x9  }
0xb1: {  	_ =	task.clear_ibuf [dreg:s7], $0x5FFFF;
	_ =	strace $0x90000046  }
0xb2: {  	s29 =	simm.s32 $0x9;
	_ =	strace $0x80000048  }
0xb3: {  	_ =	swait.ge [sflag:s29], $0x1  }
0xb4: {  	[sflag:s29] =	ssyncadd.s32 $0xFFFFFFFF  }
0xb5: {  	_ =	strace $0x90000048  }
0xb6: {  	_ =	sfence  }
0xb7: {  	s30 =	sld [smem:$0x0];
	_ =	sdelay $0x2  }
0xb8: {  	s31 =	sshll.u32 s1, $0xD;
	s1 =	sshrl.u32 s1, $0x2  }
0xb9: {  	s3 =	sand.u32 $0x4000, s31;
	s1 =	sadd.s32 s1, s30  }
0xba: {  	s0 =	sor.u32 s3, s0;
	s1 =	sshll.u32 s1, $0x11  }
0xbb: {  	s0 =	sor.u32 s1, s0  }
0xbc: {  	s0 =	sadd.s32 $0x8F2B, s0  }
0xbd: {  	[sflag:s0] =	ssyncadd.remote.s32 $0x1  }
0xbe: {  	_ =	sfence.sel $0xFFFF  }
0xbf: {  	[dreg:$0x0] =	wrdreg $0xFFFFFFFF;
	(pc) =	sbr.abs _section_cstart, $3  }
0xc0: {  	[dreg:$0x1] =	wrdreg $0xFFFFFFFF  }
0xc1: {  	_ =	task.clear_ibuf [dreg:s7], $0x2FFFF;
	_ =	strace $0x9FFFFFFF  }
0xc2: {  	(tm) =	ssettm $0x7FFFFFFF  }
0xc3: {  	_ =	shalt  }
tec
execute0_lowered:
.L_overlay_start_1:
0x0: {  	(tag) =	ssettag $0x1  }
0x1: {  	s1 =	srdreg.scid;
	s4 =	rddreg [dreg:$0x0]  }
0x2: {  	s0 =	stileid.u32;
	s6 =	rddreg [dreg:$0x1]  }
0x3: {  	s2 =	simm.s32 $0x0;
	s29 =	simm.s32 $0x200;
	s30 =	simm.s32 $0x400  }
0x4: {  	s12 =	simm.s32 $0x480;
	s5 =	sand.u32 $0x1, s1;
	s1 =	rddreg [dreg:$0x2]  }
0x5: {  	s13 =	simm.s32 $0x500;
	s14 =	simm.s32 $0x580;
	[smem:$0x7FF] =	sst s2  }
0x6: {  	s16 =	simm.s32 $0x100;
	_ =	strace $0x80000047;
	[dreg:$0x3] =	wrdreg s29  }
0x7: {  	s15 =	simm.s32 $0x2;
	s3 =	smul.u32 $0xC800, s0;
	[dreg:$0x4] =	wrdreg s30  }
0x8: {  	s31 =	simm.s32 $0x180;
	s9 =	smul.u32 $0x64000, s0;
	[dreg:$0x5] =	wrdreg s12  }
0x9: {  	s17 =	simm.s32 $0x0;
	s7 =	smul.u32 $0x6400, s5;
	[dreg:$0x6] =	wrdreg s13  }
0xa: {  	s26 =	ssub.s32 $0x2, s5;
	s11 =	smul.u32 $0x32000, s5;
	[dreg:$0x7] =	wrdreg s14  }
0xb: {  	s12 =	simm.s32 $0x2600;
	s13 =	simm.s32 $0x4600;
	[dreg:$0x8] =	wrdreg s16  }
0xc: {  	s14 =	simm.s32 $0x6600;
	[dreg:$0x9] =	wrdreg s31;
	s16 =	simm.s32 $0x1  }
0xd: {  	s10 =	sshrl.u32 s26, $0x1;
	s6 =	sadd.s32 s9, s6;
	s9 =	simm.s32 $0x3  }
0xe: {  	s3 =	sadd.s32 s7, s3;
	s28 =	ssub.s32 s26, s10;
	s6 =	sadd.s32 s11, s6  }
0xf: {  	s10 =	simm.s32 $0x80;
	s11 =	simm.s32 $0x600;
	s3 =	sshrl.u32 s3, $0x3  }
0x10: {  	s5 =	smax.u32 s28, $0x1;
	s8 =	sadd.s32 s3, s4;
	s3 =	sadd.s32 $0xF43400, s4  }
0x11: {  	v0 =	vlaneseq.u32;
	s4 =	sadd.s32 $0x33000, s4;
	s7 =	sadd.s32 $0x1000, s8;
	s8 =	sadd.s32 $0x1A000, s8  }
.LBB2_1:
0x12: {  	s18 =	smov.u32 s8  }
0x13: {  	s19 =	smov.u32 s7;
	s20 =	smov.u32 s6;
	s21 =	simm.s32 $0x0  }
.LBB2_2:
0x14: {  	[tilespmem:s2], [sflag:$0x3] =	stream.linear.gather [hbm4b:s18+s2], $0x200, $0x38;
	[tilespmem:$0x8600] =	vst v63  }
0x15: {  	v1 =	vor.u32 s21, v0;
	s23 =	sadd.s32 $0x10, s21  }
0x16: {  	s24 =	sadd.s32 $0x20, s21;
	v2 =	vmulhi.u32 $0x51EB851F, v1;
	v4 =	vor.u32 s23, v0  }
0x17: {  	s25 =	sadd.s32 $0x30, s21;
	_ =	swait.ge [sflag:s9], $0x200;
	v7 =	vor.u32 s24, v0;
	v6 =	vmulhi.u32 $0x51EB851F, v4  }
0x18: {  	s26 =	sadd.s32 $0x40, s21;
	s28 =	sadd.s32 $0x50, s21;
	v9 =	vor.u32 s25, v0;
	[sflag:s9] =	ssyncset.done $0x0;
	v33 =	vmulhi.u32 $0x51EB851F, v7  }
0x19: {  	s29 =	sadd.s32 $0x60, s21;
	v36 =	vor.u32 s26, v0;
	s22 =	rddreg [dreg:$0x3];
	v11 =	vmulhi.u32 $0x51EB851F, v9;
	[sflag:s9] =	ssyncadd.s32 $0xFFFFFE00  }
0x1a: {  	v40 =	vor.u32 s28, v0;
	v38 =	vmulhi.u32 $0x51EB851F, v36;
	[tilespmem:s22], [sflag:$0x3] =	stream.linear.gather [hbm4b:s19+s2], $0x200, $0x38;
	[tilespmem:$0x8600] =	vst v63  }
0x1b: {  	s30 =	sadd.s32 $0x70, s21;
	v44 =	vor.u32 s29, v0;
	v41 =	vmulhi.u32 $0x51EB851F, v40;
	_ =	swait.ge [sflag:s9], $0x200  }
0x1c: {  	s31 =	sadd.s32 $0x80, s21;
	v46 =	vor.u32 s30, v0;
	v13 =	vmulhi.u32 $0x51EB851F, v44;
	[sflag:s9] =	ssyncset.done $0x0  }
0x1d: {  	v14 =	vor.u32 s31, v0;
	s23 =	sadd.s32 $0x90, s21;
	v48 =	vmulhi.u32 $0x51EB851F, v46;
	[sflag:s9] =	ssyncadd.s32 $0xFFFFFE00  }
0x1e: {  	s24 =	sadd.s32 $0xA0, s21;
	v52 =	vmulhi.u32 $0x51EB851F, v14;
	v53 =	vor.u32 s23, v0;
	v3 =	vld [tilespmem:$0x200]  }
0x1f: {  	s25 =	sadd.s32 $0xB0, s21;
	v16 =	vor.u32 s24, v0;
	v55 =	vmulhi.u32 $0x51EB851F, v53;
	v5 =	vld [tilespmem:$0x210]  }
0x20: {  	s26 =	sadd.s32 $0xC0, s21;
	v59 =	vor.u32 s25, v0;
	v18 =	vmulhi.u32 $0x51EB851F, v16;
	v8 =	vld [tilespmem:$0x220]  }
0x21: {  	s28 =	sadd.s32 $0xD0, s21;
	v63 =	vor.u32 s26, v0;
	v62 =	vmulhi.u32 $0x51EB851F, v59;
	v10 =	vld [tilespmem:$0x230]  }
0x22: {  	s29 =	sadd.s32 $0xE0, s21;
	v24 =	vor.u32 s28, v0;
	v21 =	vmulhi.u32 $0x51EB851F, v63;
	v37 =	vld [tilespmem:$0x240]  }
0x23: {  	s30 =	sadd.s32 $0xF0, s21;
	v29 =	vor.u32 s29, v0;
	v27 =	vmulhi.u32 $0x51EB851F, v24;
	v42 =	vld [tilespmem:$0x250]  }
0x24: {  	v32 =	vor.u32 s30, v0;
	v2 =	vshrl.u32 v2, $0x6;
	v30 =	vmulhi.u32 $0x51EB851F, v29;
	v12 =	vld [tilespmem:$0x260]  }
0x25: {  	v2 =	vmul.u32 $0xC8, v2;
	v6 =	vshrl.u32 v6, $0x6;
	v35 =	vshrl.u32 v11, $0x6;
	v50 =	vld [tilespmem:$0x270]  }
0x26: {  	s28 =	sadd.s32 $0x150, s21;
	v47 =	vshrl.u32 v13, $0x6;
	v13 =	vshrl.u32 v48, $0x6;
	v54 =	vshrl.u32 v52, $0x6;
	v15 =	vld [tilespmem:$0x280]  }
0x27: {  	v52 =	vor.u32 s28, v0;
	v51 =	vmul.u32 $0xC8, v13;
	v58 =	vshrl.u32 v18, $0x6;
	v56 =	vld [tilespmem:$0x290]  }
0x28: {  	v23 =	vshrl.u32 v21, $0x6;
	v18 =	vshrl.u32 v30, $0x6;
	v1 =	vsub.s32 v1, v2;
	v17 =	vld [tilespmem:$0x2A0]  }
0x29: {  	s23 =	sadd.s32 $0x110, s21;
	v2 =	vmul.u32 $0xC8, v6;
	v6 =	vshrl.u32 v33, $0x6;
	v61 =	vmul.u32 $0xC8, v58;
	v60 =	vld [tilespmem:$0x2B0]  }
0x2a: {  	s29 =	sadd.s32 $0x160, s21;
	v26 =	vmul.u32 $0xC8, v23;
	v33 =	vmul.u32 $0xC8, v18;
	v23 =	vor.u32 s23, v0;
	v19 =	vld [tilespmem:$0x2C0]  }
0x2b: {  	v58 =	vor.u32 s29, v0;
	v4 =	vsub.s32 v4, v2;
	v20 =	vld [tilespmem:$0x2E0];
	v3 =	vmul.u32 $0xC8, v3  }
0x2c: {  	v21 =	vld [tilespmem:$0x2F0];
	v5 =	vmul.u32 $0xC8, v5;
	v34 =	vmul.u32 $0xC8, v8;
	v39 =	vmul.u32 $0xC8, v10  }
0x2d: {  	v48 =	vld [tilespmem:$0x340];
	v8 =	vmul.u32 $0xC8, v37;
	v49 =	vmul.u32 $0xC8, v42;
	v12 =	vmul.u32 $0xC8, v12  }
0x2e: {  	v11 =	vmul.u32 $0xC8, v50;
	v15 =	vmul.u32 $0xC8, v15;
	v13 =	vmul.u32 $0xC8, v56  }
0x2f: {  	v17 =	vmul.u32 $0xC8, v17;
	v22 =	vmul.u32 $0xC8, v60;
	v28 =	vmul.u32 $0xC8, v19  }
0x30: {  	v37 =	vmul.u32 $0xC8, v20;
	v2 =	vadd.s32 v1, v3;
	v3 =	vmul.u32 $0xC8, v6  }
0x31: {  	v21 =	vmul.u32 $0xC8, v21;
	v1 =	vadd.s32 v4, v5;
	v5 =	vmul.u32 $0xC8, v35  }
0x32: {  	v56 =	vmul.u32 $0xC8, v48;
	v60 =	vmulhi.u32 $0x51EB851F, v58;
	v3 =	vsub.s32 v7, v3  }
0x33: {  	s24 =	sadd.s32 $0x120, s21;
	v5 =	vsub.s32 v9, v5;
	v7 =	vshrl.u32 v38, $0x6;
	v9 =	vshrl.u32 v41, $0x6  }
0x34: {  	s31 =	sadd.s32 $0x100, s21;
	v41 =	vor.u32 s24, v0;
	v3 =	vadd.s32 v3, v34;
	v43 =	vmul.u32 $0xC8, v7  }
0x35: {  	v45 =	vmul.u32 $0xC8, v9;
	v9 =	vmul.u32 $0xC8, v54;
	v34 =	vor.u32 s31, v0  }
0x36: {  	v38 =	vld [tilespmem:$0x300];
	v4 =	vadd.s32 v5, v39;
	v5 =	vsub.s32 v36, v43;
	v36 =	vmulhi.u32 $0x51EB851F, v34  }
0x37: {  	v6 =	vsub.s32 v40, v45;
	v9 =	vsub.s32 v14, v9;
	v40 =	vmulhi.u32 $0x51EB851F, v23  }
0x38: {  	v14 =	vsub.s32 v63, v26;
	v43 =	vmulhi.u32 $0x51EB851F, v41;
	v63 =	vshrl.u32 v60, $0x6  }
0x39: {  	s26 =	sadd.s32 $0x140, s21;
	v5 =	vadd.s32 v5, v8;
	v8 =	vmul.u32 $0xC8, v47;
	v10 =	vadd.s32 v6, v49  }
0x3a: {  	v9 =	vadd.s32 v9, v15;
	v15 =	vshrl.u32 v27, $0x6;
	v47 =	vor.u32 s26, v0  }
0x3b: {  	v31 =	vmul.u32 $0xC8, v15;
	v42 =	vshrl.u32 v40, $0x6;
	v20 =	vmul.u32 $0xC8, v38  }
0x3c: {  	v25 =	vld [tilespmem:$0x2D0];
	v50 =	vmulhi.u32 $0x51EB851F, v47;
	v7 =	vsub.s32 v44, v8;
	v8 =	vsub.s32 v46, v51  }
0x3d: {  	v26 =	vld [tilespmem:$0x330];
	v18 =	vmul.u32 $0xC8, v42;
	v6 =	vadd.s32 v7, v12;
	v12 =	vshrl.u32 v55, $0x6  }
0x3e: {  	s28 =	sadd.s32 $0x1D0, s21;
	v8 =	vadd.s32 v8, v11;
	v11 =	vsub.s32 v16, v61;
	v16 =	vsub.s32 v29, v33  }
0x3f: {  	v54 =	vshrl.u32 v50, $0x6;
	v55 =	vmulhi.u32 $0x51EB851F, v52;
	v50 =	vor.u32 s28, v0  }
0x40: {  	s25 =	sadd.s32 $0x130, s21;
	v57 =	vmul.u32 $0xC8, v12;
	v12 =	vshrl.u32 v62, $0x6;
	v11 =	vadd.s32 v11, v17  }
0x41: {  	s30 =	sadd.s32 $0x170, s21;
	v44 =	vld [tilespmem:$0x320];
	v17 =	vmul.u32 $0xC8, v25;
	v16 =	vadd.s32 v16, v37;
	v25 =	vor.u32 s25, v0  }
0x42: {  	v18 =	vsub.s32 v23, v18;
	v51 =	vmul.u32 $0xC8, v26;
	v62 =	vor.u32 s30, v0  }
0x43: {  	v26 =	vmul.u32 $0xC8, v63;
	v12 =	vmul.u32 $0xC8, v12;
	v7 =	vsub.s32 v53, v57  }
0x44: {  	v27 =	vmulhi.u32 $0x51EB851F, v25;
	v57 =	vshrl.u32 v55, $0x6;
	v7 =	vadd.s32 v7, v13  }
0x45: {  	[tilespmem:$0x410] =	vst v1;
	v12 =	vsub.s32 v59, v12;
	v13 =	vadd.s32 v14, v28;
	v14 =	vsub.s32 v24, v31  }
0x46: {  	s31 =	sadd.s32 $0x180, s21;
	[tilespmem:$0x440] =	vst v5;
	v46 =	vshrl.u32 v27, $0x6;
	v1 =	vmul.u32 $0xC8, v44;
	v5 =	vmul.u32 $0xC8, v57  }
0x47: {  	s23 =	sadd.s32 $0x190, s21;
	s30 =	sadd.s32 $0x1F0, s21;
	v53 =	vld [tilespmem:$0x350];
	v27 =	vor.u32 s31, v0;
	v12 =	vadd.s32 v12, v22;
	v22 =	vmulhi.u32 $0x51EB851F, v32  }
0x48: {  	v24 =	vld [tilespmem:$0x310];
	v31 =	vor.u32 s23, v0;
	v57 =	vor.u32 s30, v0;
	v30 =	vmulhi.u32 $0x51EB851F, v27  }
0x49: {  	[tilespmem:$0x400] =	vst v2;
	v59 =	vld [tilespmem:$0x360];
	v14 =	vadd.s32 v14, v17;
	v49 =	vmul.u32 $0xC8, v46;
	v33 =	vmulhi.u32 $0x51EB851F, v31  }
0x4a: {  	[tilespmem:$0x420] =	vst v3;
	v28 =	vld [tilespmem:$0x380];
	v5 =	vsub.s32 v52, v5;
	v52 =	vmulhi.u32 $0x51EB851F, v50;
	v35 =	vshrl.u32 v22, $0x6  }
0x4b: {  	s24 =	sadd.s32 $0x1A0, s21;
	[tilespmem:$0x4B0] =	vst v12;
	v22 =	vshrl.u32 v36, $0x6;
	v3 =	vsub.s32 v25, v49;
	v12 =	vshrl.u32 v33, $0x6  }
0x4c: {  	[tilespmem:$0x430] =	vst v4;
	v36 =	vor.u32 s24, v0;
	v17 =	vmul.u32 $0xC8, v35;
	v39 =	vmul.u32 $0xC8, v22  }
0x4d: {  	s29 =	sadd.s32 $0x1E0, s21;
	[tilespmem:$0x450] =	vst v10;
	v46 =	vld [tilespmem:$0x3C0];
	v61 =	vmul.u32 $0xC8, v53;
	v12 =	vmul.u32 $0xC8, v12;
	v38 =	vmulhi.u32 $0x51EB851F, v36  }
0x4e: {  	[tilespmem:$0x480] =	vst v9;
	v53 =	vor.u32 s29, v0;
	v24 =	vmul.u32 $0xC8, v24;
	v29 =	vmul.u32 $0xC8, v59  }
0x4f: {  	[tilespmem:$0x460] =	vst v6;
	v9 =	vmul.u32 $0xC8, v28;
	v59 =	vmulhi.u32 $0x51EB851F, v57;
	v15 =	vsub.s32 v32, v17  }
0x50: {  	[tilespmem:$0x470] =	vst v8;
	s25 =	sadd.s32 $0x1B0, s21;
	v25 =	vld [tilespmem:$0x370];
	v17 =	vsub.s32 v34, v39;
	v4 =	vadd.s32 v5, v61;
	v5 =	vsub.s32 v58, v26  }
0x51: {  	[tilespmem:$0x4A0] =	vst v11;
	v35 =	vld [tilespmem:$0x390];
	v32 =	vshrl.u32 v30, $0x6;
	v39 =	vor.u32 s25, v0;
	v42 =	vsub.s32 v31, v12  }
0x52: {  	[tilespmem:$0x4E0] =	vst v16;
	v55 =	vmul.u32 $0xC8, v46;
	v15 =	vadd.s32 v15, v21;
	v21 =	vshrl.u32 v43, $0x6  }
0x53: {  	[tilespmem:$0x490] =	vst v7;
	v17 =	vadd.s32 v17, v20;
	v18 =	vadd.s32 v18, v24;
	v24 =	vmulhi.u32 $0x51EB851F, v62  }
0x54: {  	[tilespmem:$0x4C0] =	vst v13;
	v5 =	vadd.s32 v5, v29;
	v7 =	vmul.u32 $0xC8, v32;
	v43 =	vshrl.u32 v38, $0x6  }
0x55: {  	v45 =	vmul.u32 $0xC8, v21;
	v34 =	vmul.u32 $0xC8, v25;
	[tilespmem:$0x560] =	vst v5;
	v5 =	vshrl.u32 v52, $0x6  }
0x56: {  	v37 =	vld [tilespmem:$0x3A0];
	[tilespmem:$0x4D0] =	vst v14;
	v10 =	vshrl.u32 v24, $0x6;
	v7 =	vsub.s32 v27, v7;
	v44 =	vmul.u32 $0xC8, v35  }
0x57: {  	s26 =	sadd.s32 $0x1C0, s21;
	[tilespmem:$0x550] =	vst v4;
	v60 =	vmul.u32 $0xC8, v5;
	v2 =	vsub.s32 v41, v45;
	v10 =	vmul.u32 $0xC8, v10  }
0x58: {  	v40 =	vld [tilespmem:$0x3B0];
	[tilespmem:$0x4F0] =	vst v15;
	v41 =	vmulhi.u32 $0x51EB851F, v39;
	v7 =	vadd.s32 v7, v9;
	v45 =	vor.u32 s26, v0  }
0x59: {  	[tilespmem:$0x500] =	vst v17;
	v1 =	vadd.s32 v2, v1;
	v2 =	vadd.s32 v3, v51;
	v3 =	vmul.u32 $0xC8, v54  }
0x5a: {  	[tilespmem:$0x510] =	vst v18;
	v48 =	vmulhi.u32 $0x51EB851F, v45;
	v6 =	vsub.s32 v62, v10;
	v10 =	vmul.u32 $0xC8, v43  }
0x5b: {  	v8 =	vshrl.u32 v41, $0x6;
	[tilespmem:$0x520] =	vst v1;
	v1 =	vmul.u32 $0xC8, v37;
	v62 =	vshrl.u32 v59, $0x6  }
0x5c: {  	v51 =	vld [tilespmem:$0x3D0];
	[tilespmem:$0x580] =	vst v7;
	v3 =	vsub.s32 v47, v3;
	v6 =	vadd.s32 v6, v34;
	v8 =	vmul.u32 $0xC8, v8  }
0x5d: {  	v54 =	vld [tilespmem:$0x3E0];
	[tilespmem:$0x530] =	vst v2;
	v47 =	vmul.u32 $0xC8, v40;
	v49 =	vshrl.u32 v48, $0x6;
	v3 =	vadd.s32 v3, v56  }
0x5e: {  	v58 =	vld [tilespmem:$0x3F0];
	v2 =	vsub.s32 v36, v10;
	v4 =	vmul.u32 $0xC8, v49;
	[tilespmem:$0x570] =	vst v6;
	v56 =	vmulhi.u32 $0x51EB851F, v53  }
0x5f: {  	[tilespmem:$0x540] =	vst v3;
	v3 =	vadd.s32 v42, v44;
	v1 =	vadd.s32 v2, v1;
	v2 =	vsub.s32 v39, v8  }
0x60: {  	v6 =	vmul.u32 $0xC8, v62;
	v2 =	vadd.s32 v2, v47;
	[tilespmem:$0x590] =	vst v3;
	v61 =	vshrl.u32 v56, $0x6  }
0x61: {  	v4 =	vsub.s32 v45, v4;
	[tilespmem:$0x5A0] =	vst v1;
	v1 =	vmul.u32 $0xC8, v51;
	v5 =	vmul.u32 $0xC8, v61  }
0x62: {  	v63 =	vmul.u32 $0xC8, v54;
	v3 =	vadd.s32 v4, v55;
	[tilespmem:$0x5B0] =	vst v2;
	v2 =	vsub.s32 v50, v60  }
0x63: {  	[tilespmem:$0x5C0] =	vst v3;
	v1 =	vadd.s32 v2, v1;
	v3 =	vmul.u32 $0xC8, v58;
	v2 =	vsub.s32 v53, v5  }
0x64: {  	[tilespmem:$0x5D0] =	vst v1;
	v1 =	vadd.s32 v2, v63;
	v2 =	vsub.s32 v57, v6  }
0x65: {  	[tilespmem:$0x5E0] =	vst v1;
	v1 =	vadd.s32 v2, v3  }
0x66: {  	s31 =	rddreg [dreg:$0x4];
	[tilespmem:$0x5F0] =	vst v1  }
0x67: {  	[tilespmem:s11], [sflag:$0x2] =	stream.indirect.gather [hbm4b:s4+s10], $0x40, s31, s10, $0xb8;
	[tilespmem:$0x8600] =	vst v63  }
0x68: {  	s23 =	rddreg [dreg:$0x5]  }
0x69: {  	[tilespmem:s12], [sflag:$0x2] =	stream.indirect.gather [hbm4b:s4+s10], $0x40, s23, s10, $0xb8;
	[tilespmem:$0x8600] =	vst v63  }
0x6a: {  	s24 =	rddreg [dreg:$0x6]  }
0x6b: {  	[tilespmem:s13], [sflag:$0x2] =	stream.indirect.gather [hbm4b:s4+s10], $0x40, s24, s10, $0xb8;
	[tilespmem:$0x8600] =	vst v63  }
0x6c: {  	s25 =	rddreg [dreg:$0x7]  }
0x6d: {  	[tilespmem:s14], [sflag:$0x2] =	stream.indirect.gather [hbm4b:s4+s10], $0x40, s25, s10, $0xb8;
	[tilespmem:$0x8600] =	vst v63  }
0x6e: {  	_ =	swait.ge [sflag:s15], $0x2000  }
0x6f: {  	[sflag:s15] =	ssyncset.done $0x0  }
0x70: {  	[sflag:s15] =	ssyncadd.s32 $0xFFFFE000  }
0x71: {  	_ =	swait.ge [sflag:s15], $0x2000  }
0x72: {  	[sflag:s15] =	ssyncset.done $0x0  }
0x73: {  	[sflag:s15] =	ssyncadd.s32 $0xFFFFE000  }
0x74: {  	_ =	swait.ge [sflag:s15], $0x2000  }
0x75: {  	[sflag:s15] =	ssyncset.done $0x0  }
0x76: {  	[sflag:s15] =	ssyncadd.s32 $0xFFFFE000  }
0x77: {  	_ =	swait.ge [sflag:s15], $0x2000  }
0x78: {  	[sflag:s15] =	ssyncset.done $0x0  }
0x79: {  	[sflag:s15] =	ssyncadd.s32 $0xFFFFE000  }
0x7a: {  	[tilespmem:s11], [sflag:$0x1] =	stream.indirect.gather.add.f32 [hbm:s3], $0x40, s2, s10, $0xb8;
	[tilespmem:$0x8600] =	vst v63  }
0x7b: {  	_ = 	snop  }
0x7c: {  	[tilespmem:s12], [sflag:$0x1] =	stream.indirect.gather.add.f32 [hbm:s3], $0x40, s10, s10, $0xb8;
	[tilespmem:$0x8600] =	vst v63  }
0x7d: {  	s26 =	rddreg [dreg:$0x8]  }
0x7e: {  	[tilespmem:s13], [sflag:$0x1] =	stream.indirect.gather.add.f32 [hbm:s3], $0x40, s26, s10, $0xb8;
	[tilespmem:$0x8600] =	vst v63  }
0x7f: {  	s28 =	rddreg [dreg:$0x9]  }
0x80: {  	[tilespmem:s14], [sflag:$0x1] =	stream.indirect.gather.add.f32 [hbm:s3], $0x40, s28, s10, $0xb8;
	[tilespmem:$0x8600] =	vst v63  }
0x81: {  	_ =	swait.ge [sflag:s16], $0x2000  }
0x82: {  	[sflag:s16] =	ssyncset.done $0x0  }
0x83: {  	[sflag:s16] =	ssyncadd.s32 $0xFFFFE000  }
0x84: {  	_ =	swait.ge [sflag:s16], $0x2000  }
0x85: {  	[sflag:s16] =	ssyncset.done $0x0  }
0x86: {  	[sflag:s16] =	ssyncadd.s32 $0xFFFFE000  }
0x87: {  	_ =	swait.ge [sflag:s16], $0x2000  }
0x88: {  	[sflag:s16] =	ssyncset.done $0x0  }
0x89: {  	[sflag:s16] =	ssyncadd.s32 $0xFFFFE000  }
0x8a: {  	_ =	swait.ge [sflag:s16], $0x2000  }
0x8b: {  	[sflag:s16] =	ssyncset.done $0x0  }
0x8c: {  	[sflag:s16] =	ssyncadd.s32 $0xFFFFE000  }
0x8d: {  	[hbm4b:s20+s2] =	stream.linear.scatter [tilespmem:s11], [sflag:$0x3], $0x2000, $0x38;
	[tilespmem:$0x8600] =	vst v63  }
0x8e: {  	_ =	swait.ge [sflag:s9], $0x2000  }
0x8f: {  	[sflag:s9] =	ssyncset.done $0x0  }
0x90: {  	s29 =	sadd.s32 $0x400, s20;
	[sflag:s9] =	ssyncadd.s32 $0xFFFFE000  }
0x91: {  	[hbm4b:s29+s2] =	stream.linear.scatter [tilespmem:s12], [sflag:$0x3], $0x2000, $0x38;
	[tilespmem:$0x8600] =	vst v63  }
0x92: {  	_ =	swait.ge [sflag:s9], $0x2000  }
0x93: {  	[sflag:s9] =	ssyncset.done $0x0  }
0x94: {  	s30 =	sadd.s32 $0x800, s20;
	[sflag:s9] =	ssyncadd.s32 $0xFFFFE000  }
0x95: {  	[hbm4b:s30+s2] =	stream.linear.scatter [tilespmem:s13], [sflag:$0x3], $0x2000, $0x38;
	[tilespmem:$0x8600] =	vst v63  }
0x96: {  	_ =	swait.ge [sflag:s9], $0x2000  }
0x97: {  	p0 =	sne.s32 s21, $0x6200;
	[sflag:s9] =	ssyncset.done $0x0  }
.Ltmp0:
0x98: {  	s31 =	sadd.s32 $0xC00, s20;
	[sflag:s9] =	ssyncadd.s32 $0xFFFFE000;
	(pc) =	sbr.rel @p0 .LBB2_2-.Ltmp0, $4  }
0x99: {  	[hbm4b:s31+s2] =	stream.linear.scatter [tilespmem:s14], [sflag:$0x3], $0x2000, $0x38;
	[tilespmem:$0x8600] =	vst v63  }
0x9a: {  	_ =	swait.ge [sflag:s9], $0x2000  }
0x9b: {  	s18 =	sadd.s32 $0x40, s18;
	s19 =	sadd.s32 $0x40, s19;
	[sflag:s9] =	ssyncset.done $0x0  }
0x9c: {  	s21 =	sadd.s32 $0x200, s21;
	s20 =	sadd.s32 $0x1000, s20;
	[sflag:s9] =	ssyncadd.s32 $0xFFFFE000  }
0x9d: {  	s17 =	sadd.s32 $0x1, s17  }
0x9e: {  	p0 =	sne.s32 s17, s5  }
.Ltmp1:
0x9f: {  	_ = 	snop;
	(pc) =	sbr.rel @p0 .LBB2_1-.Ltmp1, $1  }
0xa0: {  	_ =	sdelay $0x3  }
0xa1: {  	_ =	sfence.sel $0x180000  }
0xa2: {  	[bflag:$0x0] =	sbarrier.arrive $0xFFFF  }
0xa3: {  	p0 =	sne.s32 s0, $0x0;
	_ =	strace $0x90000047  }
0xa4: {  	s0 =	sadd.s32 @!p0 $0x100000, s1;
	[bflag:$0x2] =	sbarrier.arrive $0xFFFF  }
0xa5: {  	[sflag:s0] =	ssyncadd.tile.s32 @!p0 $0x1;
	_ =	shalt  }
.Lfunc_end2:
_tile_overlayer_lowered:
.L_overlay_start_2:
0xa6: {  	(tag) =	ssettag $0x2  }
0xa7: {  	s0 =	rddreg [dreg:$0x0];
	s2 =	stileid.u32  }
0xa8: {  	s1 =	rddreg [dreg:$0x1];
	p0 =	sne.s32 s2, $0x0  }
0xa9: {  	s3 =	rddreg [dreg:$0x2];
	[bflag:$0x3] =	sbarrier.arrive $0xFFFF;
	s2 =	simm.s32 @!p0 $0x1C03  }
0xaa: {  	[timem:s3], [sflag:s2] =	dma.local @!p0 [hbm:s0], s1  }
0xab: {  	s0 =	simm.s32 @!p0 $0x3  }
0xac: {  	_ =	swait.ge @!p0 [sflag:s0], s1  }
0xad: {  	s1 =	ssub.s32 @!p0 $0x0, s1;
	[sflag:s0] =	ssyncset.done @!p0 $0x0  }
0xae: {  	[sflag:s0] =	ssyncadd.s32 @!p0 s1  }
0xaf: {  	[bflag:$0x3] =	sbarrier.arrive $0xFFFF  }
0xb0: {  	_ =	shalt  }

// kernel: sparse-core-data-format-call.cloned.1.call-start
scs
called_computation_lowered:
.L_overlay_start_0:
0x0: {  	s2 =	sld [smem:$0x3FD9]  }
0x1: {  	s3 =	sld [smem:$0x3FFE];
	_ =	sdelay $0x1  }
0x2: {  	s1 =	srdreg.scid  }
0x3: {  	s0 =	sand.u32 $0x1, s1  }
0x4: {  	s18 =	sshll.u32 s0, $0xA;
	s2 =	sadd.s32 s3, s2  }
0x5: {  	s2 =	sadd.s32 s2, s18  }
0x6: {  	[smem:$0x3FC4] =	sst s2  }
0x7: {  	_ = 	snop  }
0x8: {  	s2 =	sld [smem:$0x3FD0];
	(tm) =	ssettm $0x1  }
0x9: {  	s19 =	sld [smem:$0x3FFB];
	_ =	sdelay $0x3  }
0xa: {  	_ =	strace s19  }
0xb: {  	s3 =	sld [smem:$0x3FFC];
	_ =	sdelay $0x3  }
0xc: {  	_ =	strace s3  }
0xd: {  	s3 =	sld [smem:$0x3FFD];
	_ =	sdelay $0x3  }
0xe: {  	_ =	strace s3  }
0xf: {  	_ =	strace $0x8FFFFFFF  }
0x10: {  	s20 =	sld [smem:$0x3FDB];
	_ =	sdelay $0x1  }
0x11: {  	s4 =	simm.s32 $_scs_section_size  }
0x12: {  	s5 =	simm.s32 $_size__tile_overlayer_lowered;
	s6 =	simm.s32 $_tile_overlayer_lowered  }
0x13: {  	s23 =	simm.s32 $0x1BFF;
	s22 =	sshll.u32 s6, $0x1;
	s3 =	sadd.s32 s4, s20  }
0x14: {  	s7 =	simm.s32 $0x0;
	s21 =	sshll.u32 s5, $0x1;
	s5 =	sadd.s32 s22, s3  }
0x15: {  	[timem:s7], [sflag:s23] =	dma.local [hbm:s5], s21  }
0x16: {  	_ =	swait.ge [sflag:s23], s21  }
0x17: {  	s4 =	ssub.s32 $0x0, s21;
	[sflag:s23] =	ssyncset.done $0x0  }
0x18: {  	[sflag:s23] =	ssyncadd.s32 s4;
	_ =	sdelay $0x1  }
0x19: {  	s24 =	simm.s32 $0x1B8B  }
0x1a: {  	_ =	swait.ge [sflag:s24], $0x1  }
0x1b: {  	[sflag:s24] =	ssyncset.done $0x0  }
0x1c: {  	s26 =	simm.s32 $0x1B8E;
	s25 =	sld [smem:$0x3FFE];
	[sflag:s24] =	ssyncadd.s32 $0xFFFFFFFF  }
0x1d: {  	s27 =	simm.s32 $execute0_lowered;
	[smem:$0x3FD2] =	sst s26  }
0x1e: {  	s5 =	sshll.u32 s27, $0x1;
	_ =	strace $0x80000049;
	[dreg:$0x1] =	wrdreg $0xFFFFFFFF  }
0x1f: {  	s28 =	simm.s32 $_size_execute0_lowered;
	s3 =	sadd.s32 s3, s5;
	[dreg:$0x0] =	wrdreg $0x0  }
0x20: {  	s5 =	sshll.u32 s28, $0x1;
	[dreg:$0x2] =	wrdreg s3  }
0x21: {  	[dreg:$0x3] =	wrdreg s5  }
0x22: {  	[dreg:$0x4] =	wrdreg $0xC0  }
0x23: {  	_ =	task [dreg:s7], $0x5FFFF  }
0x24: {  	[dreg:$0x1] =	wrdreg $0xFFFFFFFF  }
0x25: {  	[dreg:$0x0] =	wrdreg $0x60  }
0x26: {  	[dreg:$0x2] =	wrdreg s25  }
0x27: {  	[dreg:$0x3] =	wrdreg s2  }
0x28: {  	[dreg:$0x4] =	wrdreg $0x9  }
0x29: {  	_ =	task.clear_ibuf [dreg:s7], $0x5FFFF;
	_ =	strace $0x90000049  }
0x2a: {  	s29 =	simm.s32 $0x9;
	_ =	strace $0x8000004B  }
0x2b: {  	_ =	swait.ge [sflag:s29], $0x1  }
0x2c: {  	[sflag:s29] =	ssyncadd.s32 $0xFFFFFFFF  }
0x2d: {  	_ =	strace $0x9000004B  }
0x2e: {  	_ =	sfence  }
0x2f: {  	s30 =	sld [smem:$0x0];
	_ =	sdelay $0x2  }
0x30: {  	s31 =	sshll.u32 s1, $0xD;
	s1 =	sshrl.u32 s1, $0x2  }
0x31: {  	s3 =	sand.u32 $0x4000, s31;
	s1 =	sadd.s32 s1, s30  }
0x32: {  	s0 =	sor.u32 s3, s0;
	s1 =	sshll.u32 s1, $0x11  }
0x33: {  	s0 =	sor.u32 s1, s0  }
0x34: {  	s0 =	sadd.s32 $0x8F2B, s0  }
0x35: {  	[sflag:s0] =	ssyncadd.remote.s32 $0x1  }
0x36: {  	_ =	sfence.sel $0xFFFF  }
0x37: {  	[dreg:$0x0] =	wrdreg $0xFFFFFFFF;
	(pc) =	sbr.abs _section_cstart, $3  }
0x38: {  	[dreg:$0x1] =	wrdreg $0xFFFFFFFF  }
0x39: {  	_ =	task.clear_ibuf [dreg:s7], $0x2FFFF;
	_ =	strace $0x9FFFFFFF  }
0x3a: {  	(tm) =	ssettm $0x7FFFFFFF  }
0x3b: {  	_ =	shalt  }
tec
execute0_lowered:
.L_overlay_start_1:
0x0: {  	(tag) =	ssettag $0x1  }
0x1: {  	s0 =	srdreg.scid  }
0x2: {  	s1 =	sshll.u32 s0, $0x4  }
0x3: {  	s0 =	stileid.u32;
	s1 =	sand.u32 $0x10, s1  }
0x4: {  	s1 =	sor.u32 s0, s1  }
0x5: {  	s6 =	rddreg [dreg:$0x0];
	s4 =	simm.s32 $0x1;
	s2 =	sshll.u32 s1, $0x7  }
0x6: {  	s7 =	simm.s32 $0x2;
	s12 =	simm.s32 $0x0;
	s1 =	ssub.s32 $0x1000, s2  }
0x7: {  	s8 =	simm.s32 $0x8000;
	s13 =	simm.s32 $0x0;
	s3 =	sand.u32 $0xF80, s1  }
0x8: {  	s9 =	simm.s32 $0x0;
	s5 =	sshrl.u32 s1, $0xC;
	p0 =	sne.s32 s3, $0x0  }
.Ltmp0:
0x9: {  	s1 =	rddreg [dreg:$0x2];
	s4 =	simm.s32 @!p0 $0x0;
	(pc) =	sbr.rel .LBB1_1-.Ltmp0, $4  }
0xa: {  	s11 =	simm.s32 $0x0;
	s3 =	rddreg [dreg:$0x1];
	s5 =	sadd.s32 s4, s5  }
0xb: {  	_ =	strace $0x8000004A;
	s4 =	simm.s32 $0x1;
	s5 =	smul.u32 $0xC8, s5  }
0xc: {  	s6 =	sadd.s32 $0x1000, s6;
	s10 =	smov.u32 s2;
	[sflag:s4] =	ssyncpa.u1 $0x0  }
0xd: {  	p0 =	por $0x0, $0x0;
	[sflag:s7] =	ssyncpa.u1 $0x0;
	s7 =	sor.u32 $0x1, s5  }
.LBB1_4:
0xe: {  	s16 =	sshll.u32 s13, $0x3;
	s17 =	sand.u32 $0x78, s13  }
0xf: {  	s30 =	sand.u32 $0x7E00, s13;
	s12 =	sshll.u32 s12, $0xF;
	s16 =	sand.u32 $0xC00, s16  }
0x10: {  	[tilespmem:s15+$0x810 ss:$0x81] =	vst.msk $0xffff, v2;
	s31 =	sand.u32 $0x7, s13;
	s16 =	sor.u32 s17, s16;
	s17 =	sadd.s32 s3, s30  }
0x11: {  	[tilespmem:s15+$0x1020 ss:$0x81] =	vst.msk $0xffff, v0;
	s13 =	sshll.u32 s31, $0x12;
	s12 =	sadd.s32 s12, s17;
	s16 =	sshrl.u32 s16, $0x3  }
0x12: {  	[tilespmem:s15+$0x0 ss:$0x81] =	vst.msk $0xffff, v1;
	s13 =	sor.u32 $0x400, s13;
	s12 =	sadd.s32 s16, s12  }
0x13: {  	[hbm4b:s12+s13] =	stream.strided.scatter [tilespmem:s14], [sflag:$0x2], $0x2000, s8, s13, $0x20;
	[tilespmem:$0x8080] =	vst v63  }
.LBB1_5:
0x14: {  	s14 =	sadd.s32 $0x1, s9  }
0x15: {  	s12 =	sadd.s32 $0x1000, s10;
	s16 =	smov.u32 s10;
	p2 =	sgt.s32 s14, $0xC7  }
0x16: {  	s16 =	smov.u32 @p2 s12  }
0x17: {  	s14 =	simm.s32 @p2 $0x0;
	p2 =	sgt.s32 s16, $0xFFF  }
0x18: {  	s16 =	smov.u32 @p2 s2;
	p2 =	sne.s32 s11, s7  }
.Ltmp1:
0x19: {  	p1 =	slt.u32 s11, $0x2;
	(pc) =	sbr.rel @!p2 .LBB1_6-.Ltmp1, $4  }
0x1a: {  	s15 =	simm.s32 @!p1 $0x2  }
0x1b: {  	s13 =	smov.u32 s10;
	p0 =	por !p0, !p0;
	_ =	swait.ge @!p1 [sflag:s15], $0x2000  }
0x1c: {  	s12 =	smov.u32 s9;
	[sflag:s15] =	ssyncset.done @!p1 $0x0;
	s9 =	smov.u32 s14  }
0x1d: {  	s11 =	sadd.s32 $0x1, s11;
	[sflag:s15] =	ssyncadd.s32 @!p1 $0xFFFFE000;
	s10 =	smov.u32 s16  }
.LBB1_1:
0x1e: {  	p1 =	sge.u32 s11, s5  }
0x1f: {  	s14 =	sand.u32 @!p1 $0x1FFFFFF, s9  }
0x20: {  	s15 =	smulhi.u32 @!p1 $0x147AE15, s14;
	_ =	sdelay $0x1  }
0x21: {  	s15 =	smul.u32 @!p1 $0xC8, s15  }
0x22: {  	s16 =	sxor.u32 @!p1 $0xFFFFFFFF, s11;
	s17 =	smul.u32 @!p1 $0xC80, s10  }
0x23: {  	s31 =	sadd.s32 $0xFFFFFFFF, s11;
	s16 =	sshll.u32 @!p1 s16, $0xD;
	s14 =	ssub.s32 @!p1 s14, s15  }
0x24: {  	s15 =	sand.u32 @!p1 $0x2000, s16;
	s16 =	sadd.s32 @!p1 s6, s17;
	s14 =	sshll.u32 @!p1 s14, $0x4  }
0x25: {  	s17 =	simm.s32 @!p1 $0x6400;
	s14 =	sadd.s32 @!p1 s14, s16;
	s16 =	simm.s32 @!p1 $0x40  }
0x26: {  	[tilespmem:s15], [sflag:$0x1] =	stream.strided.gather @!p1 [hbm4b:s14+s16], $0x2000, s17, s16, $0x38;
	[tilespmem:$0x8080] =	vst v63  }
0x27: {  	p1 =	sge.u32 s31, s5  }
.Ltmp2:
0x28: {  	_ = 	snop;
	(pc) =	sbr.rel @p1 .LBB1_5-.Ltmp2, $1  }
0x29: {  	_ =	sdelay $0x3  }
0x2a: {  	s14 =	simm.s32 $0x1  }
0x2b: {  	_ =	swait.ge [sflag:s4], $0x2000;
	s14 =	simm.s32 @!p0 $0x0  }
0x2c: {  	[sflag:s4] =	ssyncset.done $0x0;
	s15 =	sshll.u32 s14, $0xD  }
0x2d: {  	[sflag:s4] =	ssyncadd.s32 $0xFFFFE000;
	s18 =	sor.u32 $0x20, s15  }
0x2e: {  	s14 =	smul.u32 $0x8100, s14;
	v3 =	vld [tilespmem:s18+$0x10]  }
0x2f: {  	s30 =	sand.u32 $0x1, s11;
	v2 =	vld [tilespmem:s18+$0xFFFFFFF0]  }
0x30: {  	s15 =	smul.u32 $0x8100, s30;
	s14 =	sshrl.u32 s14, $0x2;
	v0 =	vld [tilespmem:s18+$0x0]  }
0x31: {  	v1 =	vld [tilespmem:s18+$0xFFFFFFE0];
	s16 =	sor.u32 $0x4000, s14  }
0x32: {  	s31 =	sshrl.u32 s15, $0x2;
	s15 =	sadd.s32 $0x0, s16  }
0x33: {  	s17 =	simm.s32 $0x4;
	s18 =	sadd.s32 $0x40, s18;
	s14 =	sor.u32 $0x4000, s31;
	[tilespmem:s15+$0x1830 ss:$0x81] =	vst.msk $0xffff, v3  }
.LBB1_3:
0x34: {  	v3 =	vld [tilespmem:s18+$0x10];
	p1 =	sne.s32 s17, $0x1FC;
	[tilespmem:s15+$0x810 ss:$0x81] =	vst.msk $0xffff, v2;
	s19 =	smov.u32 s17;
	s17 =	sadd.s32 $0x4, s17  }
.Ltmp3:
0x35: {  	v2 =	vld [tilespmem:s18+$0xFFFFFFF0];
	[tilespmem:s15+$0x1020 ss:$0x81] =	vst.msk $0xffff, v0;
	(pc) =	sbr.rel @p1 .LBB1_3-.Ltmp3, $4  }
0x36: {  	v0 =	vld [tilespmem:s18+$0x0];
	[tilespmem:s15+$0x0 ss:$0x81] =	vst.msk $0xffff, v1  }
0x37: {  	s15 =	sshra.s32 s19, $0x2;
	v1 =	vld [tilespmem:s18+$0xFFFFFFE0]  }
0x38: {  	s15 =	sadd.s32 s15, s16  }
0x39: {  	s18 =	sadd.s32 $0x40, s18;
	[tilespmem:s15+$0x1830 ss:$0x81] =	vst.msk $0xffff, v3  }
.Ltmp4:
0x3a: {  	_ = 	snop;
	(pc) =	sbr.rel .LBB1_4-.Ltmp4, $1  }
0x3b: {  	_ =	sdelay $0x3  }
.LBB1_6:
0x3c: {  	_ =	sfence.sel $0x180000  }
0x3d: {  	s2 =	simm.s32 $0x1;
	[bflag:$0x0] =	sbarrier.arrive $0xFFFF  }
0x3e: {  	s31 =	simm.s32 $0x2;
	[sflag:s2] =	ssyncpa.u1 $0x1  }
0x3f: {  	[sflag:s31] =	ssyncpa.u1 $0x1  }
0x40: {  	p0 =	sne.s32 s0, $0x0;
	_ =	strace $0x9000004A  }
0x41: {  	s0 =	sadd.s32 @!p0 $0x100000, s1;
	[bflag:$0x2] =	sbarrier.arrive $0xFFFF  }
0x42: {  	[sflag:s0] =	ssyncadd.tile.s32 @!p0 $0x1;
	_ =	shalt  }
.Lfunc_end1:
_tile_overlayer_lowered:
.L_overlay_start_2:
0x43: {  	(tag) =	ssettag $0x2  }
0x44: {  	s0 =	rddreg [dreg:$0x0];
	s2 =	stileid.u32  }
0x45: {  	s1 =	rddreg [dreg:$0x1];
	p0 =	sne.s32 s2, $0x0  }
0x46: {  	s3 =	rddreg [dreg:$0x2];
	[bflag:$0x3] =	sbarrier.arrive $0xFFFF;
	s2 =	simm.s32 @!p0 $0x1C01  }
0x47: {  	[timem:s3], [sflag:s2] =	dma.local @!p0 [hbm:s0], s1  }
0x48: {  	s0 =	simm.s32 @!p0 $0x1  }
0x49: {  	_ =	swait.ge @!p0 [sflag:s0], s1  }
0x4a: {  	s1 =	ssub.s32 @!p0 $0x0, s1;
	[sflag:s0] =	ssyncset.done @!p0 $0x0  }
0x4b: {  	[sflag:s0] =	ssyncadd.s32 @!p0 s1  }
0x4c: {  	[bflag:$0x3] =	sbarrier.arrive $0xFFFF  }
0x4d: {  	_ =	shalt  }

</sc_bundles>
